<compile_context>
chip_gen: v7x
topology: tpu7x:2x2x1
jax: 0.10.2.dev20260603
libtpu: 0.0.44.dev20260713+nightly
codegen_flags: <defaults>
</compile_context>

<pallas_src>
import functools
import math

import jax
import jax.numpy as jnp
from jax import lax
from jax.experimental import pallas as pl
from jax.experimental.pallas import tpu as pltpu
from jax.experimental.pallas import tpu_sc as plsc

_NC = 2
_NS = 16
_NW = _NC * _NS
_ROWS = 100
_MW = 120

_SPLIT = 3392
_BB = 64


def _tc_body(x_ref, m_ref, pe_ref, diff_ref, o_ref):
    x = x_ref[...]
    m = m_ref[...]
    pe = pe_ref[...]
    diff = diff_ref[...]
    scale = math.sqrt(x.shape[-1])
    m3 = jax.lax.broadcast_in_dim(m, x.shape, (0, 1))
    o_ref[...] = x * scale + (pe[None, :, :] - m3 * diff[None, :, :])


def _tc_call(x_tc, mask_tc, pe_l, diff, B, L, D):
    grid = (_SPLIT // _BB,)
    return pl.pallas_call(
        _tc_body,
        grid=grid,
        in_specs=[
            pl.BlockSpec((_BB, L, D), lambda i: (i, 0, 0)),
            pl.BlockSpec((_BB, L), lambda i: (i, 0)),
            pl.BlockSpec((L, D), lambda i: (0, 0)),
            pl.BlockSpec((L, D), lambda i: (0, 0)),
        ],
        out_specs=pl.BlockSpec((_BB, L, D), lambda i: (i, 0, 0)),
        out_shape=jax.ShapeDtypeStruct((B, L, D), x_tc.dtype),
    )(x_tc, mask_tc, pe_l, diff)


def _sc_call(x2, mpad, pe_ext, n_chunks):
    cpw = n_chunks // _NW
    scale = math.sqrt(128.0)
    mesh = plsc.VectorSubcoreMesh(
        core_axis_name="c", subcore_axis_name="s", num_cores=_NC, num_subcores=_NS
    )

    @functools.partial(
        pl.kernel,
        out_type=jax.ShapeDtypeStruct((n_chunks, _ROWS, 128), jnp.float32),
        mesh=mesh,
        scratch_types=[
            pltpu.VMEM((201, 128), jnp.float32),
            pltpu.VMEM((2, _ROWS, 128), jnp.float32),
            pltpu.VMEM((2, _ROWS, 128), jnp.float32),
            pltpu.VMEM((2, _MW), jnp.float32),
            pltpu.SemaphoreType.DMA,
            pltpu.SemaphoreType.DMA,
            pltpu.SemaphoreType.DMA,
            pltpu.SemaphoreType.DMA,
        ],
    )
    def run(x_hbm, m_hbm, pe_hbm, out_hbm, pe_v, bin_v, bout_v, m_v,
            sin0, sin1, sout0, sout1):
        c = lax.axis_index("c")
        s = lax.axis_index("s")
        wid = s * _NC + c
        base = wid * cpw
        pltpu.sync_copy(pe_hbm, pe_v)
        pad = [pe_v[200, pl.ds(16 * j, 16)] for j in range(8)]
        sins = (sin0, sin1)
        souts = (sout0, sout1)

        def start_in(r, p):
            pltpu.async_copy(x_hbm.at[r], bin_v.at[p], sins[p])
            pltpu.async_copy(m_hbm.at[r], m_v.at[p], sins[p])

        def wait_in(r, p):
            pltpu.make_async_copy(x_hbm.at[r], bin_v.at[p], sins[p]).wait()
            pltpu.make_async_copy(m_hbm.at[r], m_v.at[p], sins[p]).wait()

        def start_out(r, p):
            pltpu.async_copy(bout_v.at[p], out_hbm.at[r], souts[p])

        def wait_out(r, p):
            pltpu.make_async_copy(bout_v.at[p], out_hbm.at[r], souts[p]).wait()

        start_in(base + 0, 0)
        start_in(base + 1, 1)

        def compute(p):
            loff = _ROWS * p

            def lbody(l, carry):
                mf = m_v[p, pl.ds(l, 16)][0]
                s1 = 1.0 - mf
                for j in range(8):
                    sl = pl.ds(16 * j, 16)
                    xv = bin_v[p, l, sl]
                    pv = pe_v[loff + l, sl]
                    bout_v[p, l, sl] = xv * scale + pv * s1 + pad[j] * mf
                return carry

            lax.fori_loop(0, _ROWS, lbody, 0)

        def outer(gg, carry):
            for p in (0, 1):
                g = 2 * gg + p
                r = base + g

                wait_in(r, p)

                @pl.when(gg > 0)
                def _():
                    wait_out(r - 2, p)

                compute(p)
                start_out(r, p)

                @pl.when(g + 2 < cpw)
                def _():
                    start_in(r + 2, p)
            return carry

        lax.fori_loop(0, cpw // 2, outer, 0)
        wait_out(base + cpw - 2, 0)
        wait_out(base + cpw - 1, 1)

    return run(x2, mpad, pe_ext)


def kernel(x, mask, pe):
    B, L, D = x.shape
    pad_row = jax.lax.slice_in_dim(pe, pe.shape[0] - 1, pe.shape[0], axis=0)
    pe_l = jax.lax.slice_in_dim(pe, 0, L, axis=0)
    diff = pe_l - pad_row
    mask_f = mask.astype(x.dtype)

    b_sc = B - _SPLIT
    n_chunks = b_sc * L // _ROWS
    pe_ext = jnp.concatenate([pe_l, pad_row], 0)
    x_sc = x[_SPLIT:].reshape(n_chunks, _ROWS, D)
    m_sc = mask_f[_SPLIT:].reshape(n_chunks, _ROWS)
    mpad = jnp.pad(m_sc, ((0, 0), (0, _MW - _ROWS)))
    out_sc = _sc_call(x_sc, mpad, pe_ext, n_chunks)

    out_full = _tc_call(x[:_SPLIT], mask_f[:_SPLIT], pe_l, diff, B, L, D)

    return lax.dynamic_update_slice(
        out_full, out_sc.reshape(b_sc, L, D), (_SPLIT, 0, 0)
    )

# --- scband reference (transcript-rebuilt; emitter-appended) ---
"""Pipeline reference for scband-learned-positional-encoding-82987358093459 (READ-ONLY COPY).

The authoritative reference and input builder live on the scoring server;
editing this copy changes nothing except your own understanding.
"""

import math
import jax, jax.numpy as jnp
import numpy as np

B, L, D = 4096, 200, 128
MAX_LEN = 5000  # padding_idx resolves to MAX_LEN (num_embeddings-1) per torch semantics


def setup_inputs(seed: int = 0) -> dict:
    key = jax.random.key(seed)
    k1, k2, k3 = jax.random.split(key, 3)
    x = jax.random.normal(k1, (B, L, D), dtype=jnp.float32)
    mask = jax.random.randint(k2, (B, L), 0, 2).astype(jnp.int32)
    pe = jax.random.normal(k3, (MAX_LEN + 1, D), dtype=jnp.float32) * 0.02
    pe = pe.at[MAX_LEN].set(0.0)  # padding_idx row is zero-initialized
    return {"x": x, "mask": mask, "pe": pe}


def reference(x, mask, pe):
    batch_size, max_len_seq, d_model = x.shape
    padding_idx = pe.shape[0] - 1  # == MAX_LEN (torch normalizes padding_idx=-1)
    indices = jnp.broadcast_to(jnp.arange(max_len_seq, dtype=jnp.int32)[None, :], (batch_size, max_len_seq))
    padded_indices = jnp.where(mask == 1, padding_idx, indices)
    padded_indices = jnp.where(padded_indices > padding_idx, padding_idx, padded_indices)
    out = math.sqrt(d_model) * x + jnp.take(pe, padded_indices, axis=0)
    return out

if __name__ == "__main__":
    import jax
    _d = setup_inputs()
    print(jax.jit(kernel)(*tuple(_d.values())))

</pallas_src>

<mosaic_0001>
#map = affine_map<(d0, d1) -> (0, 0, 0)>
#map1 = affine_map<(d0, d1) -> (0, 0)>
module attributes {stable_mosaic.version = 14 : i64} {
  func.func @run(%arg0: i32, %arg1: i32, %arg2: memref<1408x100x128xf32, #tpu.memory_space<hbm>>, %arg3: memref<1408x120xf32, #tpu.memory_space<hbm>>, %arg4: memref<201x128xf32, #tpu.memory_space<hbm>>, %arg5: memref<1408x100x128xf32, #tpu.memory_space<hbm>>, %arg6: memref<201x128xf32, #tpu.memory_space<vmem>>, %arg7: memref<2x100x128xf32, #tpu.memory_space<vmem>>, %arg8: memref<2x100x128xf32, #tpu.memory_space<vmem>>, %arg9: memref<2x120xf32, #tpu.memory_space<vmem>>, %arg10: memref<!tpu.dma_semaphore, #tpu.memory_space<semaphore_mem>>, %arg11: memref<!tpu.dma_semaphore, #tpu.memory_space<semaphore_mem>>, %arg12: memref<!tpu.dma_semaphore, #tpu.memory_space<semaphore_mem>>, %arg13: memref<!tpu.dma_semaphore, #tpu.memory_space<semaphore_mem>>) attributes {dimension_semantics = [#tpu.dimension_semantics<core_parallel>, #tpu.dimension_semantics<subcore_parallel>], iteration_bounds = array<i64: 2, 16>, scalar_prefetch = 0 : i64, scratch_operands = 8 : i64, tpu.core_type = #tpu.core_type<sc_vector_subcore>, window_params = [{transform_indices = #map}, {transform_indices = #map1}, {transform_indices = #map1}, {transform_indices = #map}]} {
    %mul3A = arith.constant 2 : i32
    %mul3A_0 = arith.muli %arg1, %mul3A : i32
    %add3A = arith.addi %mul3A_0, %arg0 : i32
    %mul3A_1 = arith.constant 44 : i32
    %mul3A_2 = arith.muli %add3A, %mul3A_1 : i32
    "tpu.region"() ({
      %run_scoped3A = tpu.sem_alloc : memref<!tpu.dma_semaphore, #tpu.memory_space<semaphore_mem>>
      tpu.enqueue_dma source(%arg4 : memref<201x128xf32, #tpu.memory_space<hbm>>) target(%arg6 : memref<201x128xf32, #tpu.memory_space<vmem>>) target_semaphore(%run_scoped3A : memref<!tpu.dma_semaphore, #tpu.memory_space<semaphore_mem>>)
      tpu.wait_dma2 semaphore(%run_scoped3A : memref<!tpu.dma_semaphore, #tpu.memory_space<semaphore_mem>>) src(%arg4 : memref<201x128xf32, #tpu.memory_space<hbm>>) dst(%arg6 : memref<201x128xf32, #tpu.memory_space<vmem>>)
      tpu.yield
    }) : () -> ()
    %get3A = arith.constant 200 : i32
    %get3A_3 = arith.index_cast %get3A : i32 to index
    %get3A_4 = arith.constant 0 : index
    %get3A_5 = tpu.vector_load %arg6[%get3A_3, %get3A_4] {strides = array<i32>} : memref<201x128xf32, #tpu.memory_space<vmem>>, vector<1x16xf32>,
    %get3A_6 = vector.shape_cast %get3A_5 : vector<1x16xf32> to vector<16xf32>
    %get3A_7 = arith.constant 200 : i32
    %get3A_8 = arith.index_cast %get3A_7 : i32 to index
    %get3A_9 = arith.constant 16 : index
    %get3A_10 = tpu.vector_load %arg6[%get3A_8, %get3A_9] {strides = array<i32>} : memref<201x128xf32, #tpu.memory_space<vmem>>, vector<1x16xf32>,
    %get3A_11 = vector.shape_cast %get3A_10 : vector<1x16xf32> to vector<16xf32>
    %get3A_12 = arith.constant 200 : i32
    %get3A_13 = arith.index_cast %get3A_12 : i32 to index
    %get3A_14 = arith.constant 32 : index
    %get3A_15 = tpu.vector_load %arg6[%get3A_13, %get3A_14] {strides = array<i32>} : memref<201x128xf32, #tpu.memory_space<vmem>>, vector<1x16xf32>,
    %get3A_16 = vector.shape_cast %get3A_15 : vector<1x16xf32> to vector<16xf32>
    %get3A_17 = arith.constant 200 : i32
    %get3A_18 = arith.index_cast %get3A_17 : i32 to index
    %get3A_19 = arith.constant 48 : index
    %get3A_20 = tpu.vector_load %arg6[%get3A_18, %get3A_19] {strides = array<i32>} : memref<201x128xf32, #tpu.memory_space<vmem>>, vector<1x16xf32>,
    %get3A_21 = vector.shape_cast %get3A_20 : vector<1x16xf32> to vector<16xf32>
    %get3A_22 = arith.constant 200 : i32
    %get3A_23 = arith.index_cast %get3A_22 : i32 to index
    %get3A_24 = arith.constant 64 : index
    %get3A_25 = tpu.vector_load %arg6[%get3A_23, %get3A_24] {strides = array<i32>} : memref<201x128xf32, #tpu.memory_space<vmem>>, vector<1x16xf32>,
    %get3A_26 = vector.shape_cast %get3A_25 : vector<1x16xf32> to vector<16xf32>
    %get3A_27 = arith.constant 200 : i32
    %get3A_28 = arith.index_cast %get3A_27 : i32 to index
    %get3A_29 = arith.constant 80 : index
    %get3A_30 = tpu.vector_load %arg6[%get3A_28, %get3A_29] {strides = array<i32>} : memref<201x128xf32, #tpu.memory_space<vmem>>, vector<1x16xf32>,
    %get3A_31 = vector.shape_cast %get3A_30 : vector<1x16xf32> to vector<16xf32>
    %get3A_32 = arith.constant 200 : i32
    %get3A_33 = arith.index_cast %get3A_32 : i32 to index
    %get3A_34 = arith.constant 96 : index
    %get3A_35 = tpu.vector_load %arg6[%get3A_33, %get3A_34] {strides = array<i32>} : memref<201x128xf32, #tpu.memory_space<vmem>>, vector<1x16xf32>,
    %get3A_36 = vector.shape_cast %get3A_35 : vector<1x16xf32> to vector<16xf32>
    %get3A_37 = arith.constant 200 : i32
    %get3A_38 = arith.index_cast %get3A_37 : i32 to index
    %get3A_39 = arith.constant 112 : index
    %get3A_40 = tpu.vector_load %arg6[%get3A_38, %get3A_39] {strides = array<i32>} : memref<201x128xf32, #tpu.memory_space<vmem>>, vector<1x16xf32>,
    %get3A_41 = vector.shape_cast %get3A_40 : vector<1x16xf32> to vector<16xf32>
    %add3A_42 = arith.constant 0 : i32
    %add3A_43 = arith.addi %mul3A_2, %add3A_42 : i32
    %dma_start3A = arith.constant 0 : i32
    %dma_start3A_44 = arith.constant 0 : i32
    %dma_start3A_45 = arith.constant 0 : i32
    %dma_start3A_46 = tpu.memref_slice %arg7[%dma_start3A, %dma_start3A_44, %dma_start3A_45] : memref<2x100x128xf32, #tpu.memory_space<vmem>> -> memref<1x100x128xf32, #tpu.memory_space<vmem>>
    %dma_start3A_47 = tpu.memref_squeeze %dma_start3A_46 : memref<1x100x128xf32, #tpu.memory_space<vmem>> -> memref<100x128xf32, #tpu.memory_space<vmem>>
    %dma_start3A_48 = arith.constant 0 : i32
    %dma_start3A_49 = arith.constant 0 : i32
    %dma_start3A_50 = tpu.memref_slice %arg2[%add3A_43, %dma_start3A_48, %dma_start3A_49] : memref<1408x100x128xf32, #tpu.memory_space<hbm>> -> memref<1x100x128xf32, #tpu.memory_space<hbm>>
    %dma_start3A_51 = tpu.memref_squeeze %dma_start3A_50 : memref<1x100x128xf32, #tpu.memory_space<hbm>> -> memref<100x128xf32, #tpu.memory_space<hbm>>
    %dma_start3A_52 = arith.constant 0 : i32
    %dma_start3A_53 = arith.constant 0 : i32
    %dma_start3A_54 = tpu.memref_slice %arg7[%dma_start3A, %dma_start3A_52, %dma_start3A_53] : memref<2x100x128xf32, #tpu.memory_space<vmem>> -> memref<1x100x128xf32, #tpu.memory_space<vmem>>
    %dma_start3A_55 = tpu.memref_squeeze %dma_start3A_54 : memref<1x100x128xf32, #tpu.memory_space<vmem>> -> memref<100x128xf32, #tpu.memory_space<vmem>>
    %dma_start3A_56 = arith.constant 0 : i32
    %dma_start3A_57 = arith.constant 0 : i32
    %dma_start3A_58 = tpu.memref_slice %arg2[%add3A_43, %dma_start3A_56, %dma_start3A_57] : memref<1408x100x128xf32, #tpu.memory_space<hbm>> -> memref<1x100x128xf32, #tpu.memory_space<hbm>>
    %dma_start3A_59 = tpu.memref_squeeze %dma_start3A_58 : memref<1x100x128xf32, #tpu.memory_space<hbm>> -> memref<100x128xf32, #tpu.memory_space<hbm>>
    tpu.enqueue_dma source(%dma_start3A_59 : memref<100x128xf32, #tpu.memory_space<hbm>>) target(%dma_start3A_55 : memref<100x128xf32, #tpu.memory_space<vmem>>) target_semaphore(%arg10 : memref<!tpu.dma_semaphore, #tpu.memory_space<semaphore_mem>>)
    %dma_start3A_60 = arith.constant 0 : i32
    %dma_start3A_61 = arith.constant 0 : i32
    %dma_start3A_62 = tpu.memref_slice %arg9[%dma_start3A_60, %dma_start3A_61] : memref<2x120xf32, #tpu.memory_space<vmem>> -> memref<1x120xf32, #tpu.memory_space<vmem>>
    %dma_start3A_63 = tpu.memref_squeeze %dma_start3A_62 : memref<1x120xf32, #tpu.memory_space<vmem>> -> memref<120xf32, #tpu.memory_space<vmem>>
    %dma_start3A_64 = arith.constant 0 : i32
    %dma_start3A_65 = tpu.memref_slice %arg3[%add3A_43, %dma_start3A_64] : memref<1408x120xf32, #tpu.memory_space<hbm>> -> memref<1x120xf32, #tpu.memory_space<hbm>>
    %dma_start3A_66 = tpu.memref_squeeze %dma_start3A_65 : memref<1x120xf32, #tpu.memory_space<hbm>> -> memref<120xf32, #tpu.memory_space<hbm>>
    %dma_start3A_67 = arith.constant 0 : i32
    %dma_start3A_68 = tpu.memref_slice %arg9[%dma_start3A_60, %dma_start3A_67] : memref<2x120xf32, #tpu.memory_space<vmem>> -> memref<1x120xf32, #tpu.memory_space<vmem>>
    %dma_start3A_69 = tpu.memref_squeeze %dma_start3A_68 : memref<1x120xf32, #tpu.memory_space<vmem>> -> memref<120xf32, #tpu.memory_space<vmem>>
    %dma_start3A_70 = arith.constant 0 : i32
    %dma_start3A_71 = tpu.memref_slice %arg3[%add3A_43, %dma_start3A_70] : memref<1408x120xf32, #tpu.memory_space<hbm>> -> memref<1x120xf32, #tpu.memory_space<hbm>>
    %dma_start3A_72 = tpu.memref_squeeze %dma_start3A_71 : memref<1x120xf32, #tpu.memory_space<hbm>> -> memref<120xf32, #tpu.memory_space<hbm>>
    tpu.enqueue_dma source(%dma_start3A_72 : memref<120xf32, #tpu.memory_space<hbm>>) target(%dma_start3A_69 : memref<120xf32, #tpu.memory_space<vmem>>) target_semaphore(%arg10 : memref<!tpu.dma_semaphore, #tpu.memory_space<semaphore_mem>>)
    %add3A_73 = arith.constant 1 : i32
    %add3A_74 = arith.addi %mul3A_2, %add3A_73 : i32
    %dma_start3A_75 = arith.constant 1 : i32
    %dma_start3A_76 = arith.constant 0 : i32
    %dma_start3A_77 = arith.constant 0 : i32
    %dma_start3A_78 = tpu.memref_slice %arg7[%dma_start3A_75, %dma_start3A_76, %dma_start3A_77] : memref<2x100x128xf32, #tpu.memory_space<vmem>> -> memref<1x100x128xf32, #tpu.memory_space<vmem>>
    %dma_start3A_79 = tpu.memref_squeeze %dma_start3A_78 : memref<1x100x128xf32, #tpu.memory_space<vmem>> -> memref<100x128xf32, #tpu.memory_space<vmem>>
    %dma_start3A_80 = arith.constant 0 : i32
    %dma_start3A_81 = arith.constant 0 : i32
    %dma_start3A_82 = tpu.memref_slice %arg2[%add3A_74, %dma_start3A_80, %dma_start3A_81] : memref<1408x100x128xf32, #tpu.memory_space<hbm>> -> memref<1x100x128xf32, #tpu.memory_space<hbm>>
    %dma_start3A_83 = tpu.memref_squeeze %dma_start3A_82 : memref<1x100x128xf32, #tpu.memory_space<hbm>> -> memref<100x128xf32, #tpu.memory_space<hbm>>
    %dma_start3A_84 = arith.constant 0 : i32
    %dma_start3A_85 = arith.constant 0 : i32
    %dma_start3A_86 = tpu.memref_slice %arg7[%dma_start3A_75, %dma_start3A_84, %dma_start3A_85] : memref<2x100x128xf32, #tpu.memory_space<vmem>> -> memref<1x100x128xf32, #tpu.memory_space<vmem>>
    %dma_start3A_87 = tpu.memref_squeeze %dma_start3A_86 : memref<1x100x128xf32, #tpu.memory_space<vmem>> -> memref<100x128xf32, #tpu.memory_space<vmem>>
    %dma_start3A_88 = arith.constant 0 : i32
    %dma_start3A_89 = arith.constant 0 : i32
    %dma_start3A_90 = tpu.memref_slice %arg2[%add3A_74, %dma_start3A_88, %dma_start3A_89] : memref<1408x100x128xf32, #tpu.memory_space<hbm>> -> memref<1x100x128xf32, #tpu.memory_space<hbm>>
    %dma_start3A_91 = tpu.memref_squeeze %dma_start3A_90 : memref<1x100x128xf32, #tpu.memory_space<hbm>> -> memref<100x128xf32, #tpu.memory_space<hbm>>
    tpu.enqueue_dma source(%dma_start3A_91 : memref<100x128xf32, #tpu.memory_space<hbm>>) target(%dma_start3A_87 : memref<100x128xf32, #tpu.memory_space<vmem>>) target_semaphore(%arg11 : memref<!tpu.dma_semaphore, #tpu.memory_space<semaphore_mem>>)
    %dma_start3A_92 = arith.constant 1 : i32
    %dma_start3A_93 = arith.constant 0 : i32
    %dma_start3A_94 = tpu.memref_slice %arg9[%dma_start3A_92, %dma_start3A_93] : memref<2x120xf32, #tpu.memory_space<vmem>> -> memref<1x120xf32, #tpu.memory_space<vmem>>
    %dma_start3A_95 = tpu.memref_squeeze %dma_start3A_94 : memref<1x120xf32, #tpu.memory_space<vmem>> -> memref<120xf32, #tpu.memory_space<vmem>>
    %dma_start3A_96 = arith.constant 0 : i32
    %dma_start3A_97 = tpu.memref_slice %arg3[%add3A_74, %dma_start3A_96] : memref<1408x120xf32, #tpu.memory_space<hbm>> -> memref<1x120xf32, #tpu.memory_space<hbm>>
    %dma_start3A_98 = tpu.memref_squeeze %dma_start3A_97 : memref<1x120xf32, #tpu.memory_space<hbm>> -> memref<120xf32, #tpu.memory_space<hbm>>
    %dma_start3A_99 = arith.constant 0 : i32
    %dma_start3A_100 = tpu.memref_slice %arg9[%dma_start3A_92, %dma_start3A_99] : memref<2x120xf32, #tpu.memory_space<vmem>> -> memref<1x120xf32, #tpu.memory_space<vmem>>
    %dma_start3A_101 = tpu.memref_squeeze %dma_start3A_100 : memref<1x120xf32, #tpu.memory_space<vmem>> -> memref<120xf32, #tpu.memory_space<vmem>>
    %dma_start3A_102 = arith.constant 0 : i32
    %dma_start3A_103 = tpu.memref_slice %arg3[%add3A_74, %dma_start3A_102] : memref<1408x120xf32, #tpu.memory_space<hbm>> -> memref<1x120xf32, #tpu.memory_space<hbm>>
    %dma_start3A_104 = tpu.memref_squeeze %dma_start3A_103 : memref<1x120xf32, #tpu.memory_space<hbm>> -> memref<120xf32, #tpu.memory_space<hbm>>
    tpu.enqueue_dma source(%dma_start3A_104 : memref<120xf32, #tpu.memory_space<hbm>>) target(%dma_start3A_101 : memref<120xf32, #tpu.memory_space<vmem>>) target_semaphore(%arg11 : memref<!tpu.dma_semaphore, #tpu.memory_space<semaphore_mem>>)
    %scan3A = arith.constant 0 : i32
    %scan3A_105 = arith.constant 0 : i32
    %scan3A_106 = arith.constant 22 : i32
    %scan3A_107 = arith.addi %scan3A_105, %scan3A_106 : i32
    %scan3A_108 = arith.constant 1 : i32
    scf.for %scan3A_150 = %scan3A_105 to %scan3A_107 step %scan3A_108  : i32 {
      %mul3A_151 = arith.constant 2 : i32
      %mul3A_152 = arith.muli %mul3A_151, %scan3A_150 : i32
      %add3A_153 = arith.constant 0 : i32
      %add3A_154 = arith.addi %mul3A_152, %add3A_153 : i32
      %add3A_155 = arith.addi %mul3A_2, %add3A_154 : i32
      %dma_wait3A_156 = arith.constant 0 : i32
      %dma_wait3A_157 = arith.constant 0 : i32
      %dma_wait3A_158 = arith.constant 0 : i32
      %dma_wait3A_159 = tpu.memref_slice %arg7[%dma_wait3A_156, %dma_wait3A_157, %dma_wait3A_158] : memref<2x100x128xf32, #tpu.memory_space<vmem>> -> memref<1x100x128xf32, #tpu.memory_space<vmem>>
      %dma_wait3A_160 = tpu.memref_squeeze %dma_wait3A_159 : memref<1x100x128xf32, #tpu.memory_space<vmem>> -> memref<100x128xf32, #tpu.memory_space<vmem>>
      %dma_wait3A_161 = arith.constant 0 : i32
      %dma_wait3A_162 = arith.constant 0 : i32
      %dma_wait3A_163 = tpu.memref_slice %arg2[%add3A_155, %dma_wait3A_161, %dma_wait3A_162] : memref<1408x100x128xf32, #tpu.memory_space<hbm>> -> memref<1x100x128xf32, #tpu.memory_space<hbm>>
      %dma_wait3A_164 = tpu.memref_squeeze %dma_wait3A_163 : memref<1x100x128xf32, #tpu.memory_space<hbm>> -> memref<100x128xf32, #tpu.memory_space<hbm>>
      %dma_wait3A_165 = arith.constant 0 : i32
      %dma_wait3A_166 = arith.constant 0 : i32
      %dma_wait3A_167 = tpu.memref_slice %arg7[%dma_wait3A_156, %dma_wait3A_165, %dma_wait3A_166] : memref<2x100x128xf32, #tpu.memory_space<vmem>> -> memref<1x100x128xf32, #tpu.memory_space<vmem>>
      %dma_wait3A_168 = tpu.memref_squeeze %dma_wait3A_167 : memref<1x100x128xf32, #tpu.memory_space<vmem>> -> memref<100x128xf32, #tpu.memory_space<vmem>>
      %dma_wait3A_169 = arith.constant 0 : i32
      %dma_wait3A_170 = arith.constant 0 : i32
      %dma_wait3A_171 = tpu.memref_slice %arg2[%add3A_155, %dma_wait3A_169, %dma_wait3A_170] : memref<1408x100x128xf32, #tpu.memory_space<hbm>> -> memref<1x100x128xf32, #tpu.memory_space<hbm>>
      %dma_wait3A_172 = tpu.memref_squeeze %dma_wait3A_171 : memref<1x100x128xf32, #tpu.memory_space<hbm>> -> memref<100x128xf32, #tpu.memory_space<hbm>>
      tpu.wait_dma2 semaphore(%arg10 : memref<!tpu.dma_semaphore, #tpu.memory_space<semaphore_mem>>) src(%dma_wait3A_172 : memref<100x128xf32, #tpu.memory_space<hbm>>) dst(%dma_wait3A_168 : memref<100x128xf32, #tpu.memory_space<vmem>>)
      %dma_wait3A_173 = arith.constant 0 : i32
      %dma_wait3A_174 = arith.constant 0 : i32
      %dma_wait3A_175 = tpu.memref_slice %arg9[%dma_wait3A_173, %dma_wait3A_174] : memref<2x120xf32, #tpu.memory_space<vmem>> -> memref<1x120xf32, #tpu.memory_space<vmem>>
      %dma_wait3A_176 = tpu.memref_squeeze %dma_wait3A_175 : memref<1x120xf32, #tpu.memory_space<vmem>> -> memref<120xf32, #tpu.memory_space<vmem>>
      %dma_wait3A_177 = arith.constant 0 : i32
      %dma_wait3A_178 = tpu.memref_slice %arg3[%add3A_155, %dma_wait3A_177] : memref<1408x120xf32, #tpu.memory_space<hbm>> -> memref<1x120xf32, #tpu.memory_space<hbm>>
      %dma_wait3A_179 = tpu.memref_squeeze %dma_wait3A_178 : memref<1x120xf32, #tpu.memory_space<hbm>> -> memref<120xf32, #tpu.memory_space<hbm>>
      %dma_wait3A_180 = arith.constant 0 : i32
      %dma_wait3A_181 = tpu.memref_slice %arg9[%dma_wait3A_173, %dma_wait3A_180] : memref<2x120xf32, #tpu.memory_space<vmem>> -> memref<1x120xf32, #tpu.memory_space<vmem>>
      %dma_wait3A_182 = tpu.memref_squeeze %dma_wait3A_181 : memref<1x120xf32, #tpu.memory_space<vmem>> -> memref<120xf32, #tpu.memory_space<vmem>>
      %dma_wait3A_183 = arith.constant 0 : i32
      %dma_wait3A_184 = tpu.memref_slice %arg3[%add3A_155, %dma_wait3A_183] : memref<1408x120xf32, #tpu.memory_space<hbm>> -> memref<1x120xf32, #tpu.memory_space<hbm>>
      %dma_wait3A_185 = tpu.memref_squeeze %dma_wait3A_184 : memref<1x120xf32, #tpu.memory_space<hbm>> -> memref<120xf32, #tpu.memory_space<hbm>>
      tpu.wait_dma2 semaphore(%arg10 : memref<!tpu.dma_semaphore, #tpu.memory_space<semaphore_mem>>) src(%dma_wait3A_185 : memref<120xf32, #tpu.memory_space<hbm>>) dst(%dma_wait3A_182 : memref<120xf32, #tpu.memory_space<vmem>>)
      %gt3A = arith.constant 0 : i32
      %gt3A_186 = arith.cmpi sgt, %scan3A_150, %gt3A : i32
      %convert_element_type3A = arith.extui %gt3A_186 : i1 to i32
      %cond3A = arith.constant 0 : i32
      %cond3A_187 = arith.cmpi ne, %convert_element_type3A, %cond3A : i32
      scf.if %cond3A_187 {
        %sub3A_287 = arith.constant 2 : i32
        %sub3A_288 = arith.subi %add3A_155, %sub3A_287 : i32
        %dma_wait3A_289 = arith.constant 0 : i32
        %dma_wait3A_290 = arith.constant 0 : i32
        %dma_wait3A_291 = arith.constant 0 : i32
        %dma_wait3A_292 = tpu.memref_slice %arg8[%dma_wait3A_289, %dma_wait3A_290, %dma_wait3A_291] : memref<2x100x128xf32, #tpu.memory_space<vmem>> -> memref<1x100x128xf32, #tpu.memory_space<vmem>>
        %dma_wait3A_293 = tpu.memref_squeeze %dma_wait3A_292 : memref<1x100x128xf32, #tpu.memory_space<vmem>> -> memref<100x128xf32, #tpu.memory_space<vmem>>
        %dma_wait3A_294 = arith.constant 0 : i32
        %dma_wait3A_295 = arith.constant 0 : i32
        %dma_wait3A_296 = tpu.memref_slice %arg5[%sub3A_288, %dma_wait3A_294, %dma_wait3A_295] : memref<1408x100x128xf32, #tpu.memory_space<hbm>> -> memref<1x100x128xf32, #tpu.memory_space<hbm>>
        %dma_wait3A_297 = tpu.memref_squeeze %dma_wait3A_296 : memref<1x100x128xf32, #tpu.memory_space<hbm>> -> memref<100x128xf32, #tpu.memory_space<hbm>>
        %dma_wait3A_298 = arith.constant 0 : i32
        %dma_wait3A_299 = arith.constant 0 : i32
        %dma_wait3A_300 = tpu.memref_slice %arg5[%sub3A_288, %dma_wait3A_298, %dma_wait3A_299] : memref<1408x100x128xf32, #tpu.memory_space<hbm>> -> memref<1x100x128xf32, #tpu.memory_space<hbm>>
        %dma_wait3A_301 = tpu.memref_squeeze %dma_wait3A_300 : memref<1x100x128xf32, #tpu.memory_space<hbm>> -> memref<100x128xf32, #tpu.memory_space<hbm>>
        %dma_wait3A_302 = arith.constant 0 : i32
        %dma_wait3A_303 = arith.constant 0 : i32
        %dma_wait3A_304 = tpu.memref_slice %arg8[%dma_wait3A_289, %dma_wait3A_302, %dma_wait3A_303] : memref<2x100x128xf32, #tpu.memory_space<vmem>> -> memref<1x100x128xf32, #tpu.memory_space<vmem>>
        %dma_wait3A_305 = tpu.memref_squeeze %dma_wait3A_304 : memref<1x100x128xf32, #tpu.memory_space<vmem>> -> memref<100x128xf32, #tpu.memory_space<vmem>>
        tpu.wait_dma2 semaphore(%arg12 : memref<!tpu.dma_semaphore, #tpu.memory_space<semaphore_mem>>) src(%dma_wait3A_305 : memref<100x128xf32, #tpu.memory_space<vmem>>) dst(%dma_wait3A_301 : memref<100x128xf32, #tpu.memory_space<hbm>>)
      } else {
      }
      %scan3A_188 = arith.constant 0 : i32
      %scan3A_189 = arith.constant 0 : i32
      %scan3A_190 = arith.constant 100 : i32
      %scan3A_191 = arith.addi %scan3A_189, %scan3A_190 : i32
      %scan3A_192 = arith.constant 1 : i32
      scf.for %scan3A_287 = %scan3A_189 to %scan3A_191 step %scan3A_192  : i32 {
        %get3A_288 = arith.constant 0 : i32
        %get3A_289 = arith.index_cast %get3A_288 : i32 to index
        %get3A_290 = arith.index_cast %scan3A_287 : i32 to index
        %get3A_291 = tpu.vector_load %arg9[%get3A_289, %get3A_290] {strides = array<i32>} : memref<2x120xf32, #tpu.memory_space<vmem>>, vector<1x16xf32>,
        %get3A_292 = vector.shape_cast %get3A_291 : vector<1x16xf32> to vector<16xf32>
        %slice3A = vector.extract_strided_slice %get3A_292 {offsets = [0], sizes = [1], strides = [1]} : vector<16xf32> to vector<1xf32>
        %squeeze3A = vector.extract %slice3A[0] : f32 from vector<1xf32>
        %sub3A_293 = arith.constant 1.000000e+00 : f32
        %sub3A_294 = arith.subf %sub3A_293, %squeeze3A : f32
        %get3A_295 = arith.constant 0 : i32
        %get3A_296 = arith.index_cast %get3A_295 : i32 to index
        %get3A_297 = arith.index_cast %scan3A_287 : i32 to index
        %get3A_298 = arith.constant 0 : index
        %get3A_299 = tpu.vector_load %arg7[%get3A_296, %get3A_297, %get3A_298] {strides = array<i32>} : memref<2x100x128xf32, #tpu.memory_space<vmem>>, vector<1x1x16xf32>,
        %get3A_300 = vector.shape_cast %get3A_299 : vector<1x1x16xf32> to vector<16xf32>
        %add3A_301 = arith.constant 0 : i32
        %add3A_302 = arith.addi %add3A_301, %scan3A_287 : i32
        %get3A_303 = arith.index_cast %add3A_302 : i32 to index
        %get3A_304 = arith.constant 0 : index
        %get3A_305 = tpu.vector_load %arg6[%get3A_303, %get3A_304] {strides = array<i32>} : memref<201x128xf32, #tpu.memory_space<vmem>>, vector<1x16xf32>,
        %get3A_306 = vector.shape_cast %get3A_305 : vector<1x16xf32> to vector<16xf32>
        %mul3A_307 = arith.constant 11.3137083 : f32
        %mul3A_308 = vector.broadcast %mul3A_307 : f32 to vector<16xf32>
        %mul3A_309 = arith.mulf %get3A_300, %mul3A_308 : vector<16xf32>
        %mul3A_310 = vector.broadcast %sub3A_294 : f32 to vector<16xf32>
        %mul3A_311 = arith.mulf %get3A_306, %mul3A_310 : vector<16xf32>
        %add3A_312 = arith.addf %mul3A_309, %mul3A_311 : vector<16xf32>
        %mul3A_313 = vector.broadcast %squeeze3A : f32 to vector<16xf32>
        %mul3A_314 = arith.mulf %get3A_6, %mul3A_313 : vector<16xf32>
        %add3A_315 = arith.addf %add3A_312, %mul3A_314 : vector<16xf32>
        %swap3A = arith.constant 0 : i32
        %swap3A_316 = arith.index_cast %swap3A : i32 to index
        %swap3A_317 = arith.index_cast %scan3A_287 : i32 to index
        %swap3A_318 = arith.constant 0 : index
        %swap3A_319 = tpu.vector_load %arg8[%swap3A_316, %swap3A_317, %swap3A_318] {strides = array<i32>} : memref<2x100x128xf32, #tpu.memory_space<vmem>>, vector<1x1x16xf32>,
        %swap3A_320 = vector.shape_cast %swap3A_319 : vector<1x1x16xf32> to vector<16xf32>
        %swap3A_321 = vector.shape_cast %add3A_315 : vector<16xf32> to vector<1x1x16xf32>
        tpu.vector_store %arg8[%swap3A_316, %swap3A_317, %swap3A_318], %swap3A_321 {strides = array<i32>} : memref<2x100x128xf32, #tpu.memory_space<vmem>>, vector<1x1x16xf32>,
        %get3A_322 = arith.constant 0 : i32
        %get3A_323 = arith.index_cast %get3A_322 : i32 to index
        %get3A_324 = arith.index_cast %scan3A_287 : i32 to index
        %get3A_325 = arith.constant 16 : index
        %get3A_326 = tpu.vector_load %arg7[%get3A_323, %get3A_324, %get3A_325] {strides = array<i32>} : memref<2x100x128xf32, #tpu.memory_space<vmem>>, vector<1x1x16xf32>,
        %get3A_327 = vector.shape_cast %get3A_326 : vector<1x1x16xf32> to vector<16xf32>
        %add3A_328 = arith.constant 0 : i32
        %add3A_329 = arith.addi %add3A_328, %scan3A_287 : i32
        %get3A_330 = arith.index_cast %add3A_329 : i32 to index
        %get3A_331 = arith.constant 16 : index
        %get3A_332 = tpu.vector_load %arg6[%get3A_330, %get3A_331] {strides = array<i32>} : memref<201x128xf32, #tpu.memory_space<vmem>>, vector<1x16xf32>,
        %get3A_333 = vector.shape_cast %get3A_332 : vector<1x16xf32> to vector<16xf32>
        %mul3A_334 = arith.constant 11.3137083 : f32
        %mul3A_335 = vector.broadcast %mul3A_334 : f32 to vector<16xf32>
        %mul3A_336 = arith.mulf %get3A_327, %mul3A_335 : vector<16xf32>
        %mul3A_337 = vector.broadcast %sub3A_294 : f32 to vector<16xf32>
        %mul3A_338 = arith.mulf %get3A_333, %mul3A_337 : vector<16xf32>
        %add3A_339 = arith.addf %mul3A_336, %mul3A_338 : vector<16xf32>
        %mul3A_340 = vector.broadcast %squeeze3A : f32 to vector<16xf32>
        %mul3A_341 = arith.mulf %get3A_11, %mul3A_340 : vector<16xf32>
        %add3A_342 = arith.addf %add3A_339, %mul3A_341 : vector<16xf32>
        %swap3A_343 = arith.constant 0 : i32
        %swap3A_344 = arith.index_cast %swap3A_343 : i32 to index
        %swap3A_345 = arith.index_cast %scan3A_287 : i32 to index
        %swap3A_346 = arith.constant 16 : index
        %swap3A_347 = tpu.vector_load %arg8[%swap3A_344, %swap3A_345, %swap3A_346] {strides = array<i32>} : memref<2x100x128xf32, #tpu.memory_space<vmem>>, vector<1x1x16xf32>,
        %swap3A_348 = vector.shape_cast %swap3A_347 : vector<1x1x16xf32> to vector<16xf32>
        %swap3A_349 = vector.shape_cast %add3A_342 : vector<16xf32> to vector<1x1x16xf32>
        tpu.vector_store %arg8[%swap3A_344, %swap3A_345, %swap3A_346], %swap3A_349 {strides = array<i32>} : memref<2x100x128xf32, #tpu.memory_space<vmem>>, vector<1x1x16xf32>,
        %get3A_350 = arith.constant 0 : i32
        %get3A_351 = arith.index_cast %get3A_350 : i32 to index
        %get3A_352 = arith.index_cast %scan3A_287 : i32 to index
        %get3A_353 = arith.constant 32 : index
        %get3A_354 = tpu.vector_load %arg7[%get3A_351, %get3A_352, %get3A_353] {strides = array<i32>} : memref<2x100x128xf32, #tpu.memory_space<vmem>>, vector<1x1x16xf32>,
        %get3A_355 = vector.shape_cast %get3A_354 : vector<1x1x16xf32> to vector<16xf32>
        %add3A_356 = arith.constant 0 : i32
        %add3A_357 = arith.addi %add3A_356, %scan3A_287 : i32
        %get3A_358 = arith.index_cast %add3A_357 : i32 to index
        %get3A_359 = arith.constant 32 : index
        %get3A_360 = tpu.vector_load %arg6[%get3A_358, %get3A_359] {strides = array<i32>} : memref<201x128xf32, #tpu.memory_space<vmem>>, vector<1x16xf32>,
        %get3A_361 = vector.shape_cast %get3A_360 : vector<1x16xf32> to vector<16xf32>
        %mul3A_362 = arith.constant 11.3137083 : f32
        %mul3A_363 = vector.broadcast %mul3A_362 : f32 to vector<16xf32>
        %mul3A_364 = arith.mulf %get3A_355, %mul3A_363 : vector<16xf32>
        %mul3A_365 = vector.broadcast %sub3A_294 : f32 to vector<16xf32>
        %mul3A_366 = arith.mulf %get3A_361, %mul3A_365 : vector<16xf32>
        %add3A_367 = arith.addf %mul3A_364, %mul3A_366 : vector<16xf32>
        %mul3A_368 = vector.broadcast %squeeze3A : f32 to vector<16xf32>
        %mul3A_369 = arith.mulf %get3A_16, %mul3A_368 : vector<16xf32>
        %add3A_370 = arith.addf %add3A_367, %mul3A_369 : vector<16xf32>
        %swap3A_371 = arith.constant 0 : i32
        %swap3A_372 = arith.index_cast %swap3A_371 : i32 to index
        %swap3A_373 = arith.index_cast %scan3A_287 : i32 to index
        %swap3A_374 = arith.constant 32 : index
        %swap3A_375 = tpu.vector_load %arg8[%swap3A_372, %swap3A_373, %swap3A_374] {strides = array<i32>} : memref<2x100x128xf32, #tpu.memory_space<vmem>>, vector<1x1x16xf32>,
        %swap3A_376 = vector.shape_cast %swap3A_375 : vector<1x1x16xf32> to vector<16xf32>
        %swap3A_377 = vector.shape_cast %add3A_370 : vector<16xf32> to vector<1x1x16xf32>
        tpu.vector_store %arg8[%swap3A_372, %swap3A_373, %swap3A_374], %swap3A_377 {strides = array<i32>} : memref<2x100x128xf32, #tpu.memory_space<vmem>>, vector<1x1x16xf32>,
        %get3A_378 = arith.constant 0 : i32
        %get3A_379 = arith.index_cast %get3A_378 : i32 to index
        %get3A_380 = arith.index_cast %scan3A_287 : i32 to index
        %get3A_381 = arith.constant 48 : index
        %get3A_382 = tpu.vector_load %arg7[%get3A_379, %get3A_380, %get3A_381] {strides = array<i32>} : memref<2x100x128xf32, #tpu.memory_space<vmem>>, vector<1x1x16xf32>,
        %get3A_383 = vector.shape_cast %get3A_382 : vector<1x1x16xf32> to vector<16xf32>
        %add3A_384 = arith.constant 0 : i32
        %add3A_385 = arith.addi %add3A_384, %scan3A_287 : i32
        %get3A_386 = arith.index_cast %add3A_385 : i32 to index
        %get3A_387 = arith.constant 48 : index
        %get3A_388 = tpu.vector_load %arg6[%get3A_386, %get3A_387] {strides = array<i32>} : memref<201x128xf32, #tpu.memory_space<vmem>>, vector<1x16xf32>,
        %get3A_389 = vector.shape_cast %get3A_388 : vector<1x16xf32> to vector<16xf32>
        %mul3A_390 = arith.constant 11.3137083 : f32
        %mul3A_391 = vector.broadcast %mul3A_390 : f32 to vector<16xf32>
        %mul3A_392 = arith.mulf %get3A_383, %mul3A_391 : vector<16xf32>
        %mul3A_393 = vector.broadcast %sub3A_294 : f32 to vector<16xf32>
        %mul3A_394 = arith.mulf %get3A_389, %mul3A_393 : vector<16xf32>
        %add3A_395 = arith.addf %mul3A_392, %mul3A_394 : vector<16xf32>
        %mul3A_396 = vector.broadcast %squeeze3A : f32 to vector<16xf32>
        %mul3A_397 = arith.mulf %get3A_21, %mul3A_396 : vector<16xf32>
        %add3A_398 = arith.addf %add3A_395, %mul3A_397 : vector<16xf32>
        %swap3A_399 = arith.constant 0 : i32
        %swap3A_400 = arith.index_cast %swap3A_399 : i32 to index
        %swap3A_401 = arith.index_cast %scan3A_287 : i32 to index
        %swap3A_402 = arith.constant 48 : index
        %swap3A_403 = tpu.vector_load %arg8[%swap3A_400, %swap3A_401, %swap3A_402] {strides = array<i32>} : memref<2x100x128xf32, #tpu.memory_space<vmem>>, vector<1x1x16xf32>,
        %swap3A_404 = vector.shape_cast %swap3A_403 : vector<1x1x16xf32> to vector<16xf32>
        %swap3A_405 = vector.shape_cast %add3A_398 : vector<16xf32> to vector<1x1x16xf32>
        tpu.vector_store %arg8[%swap3A_400, %swap3A_401, %swap3A_402], %swap3A_405 {strides = array<i32>} : memref<2x100x128xf32, #tpu.memory_space<vmem>>, vector<1x1x16xf32>,
        %get3A_406 = arith.constant 0 : i32
        %get3A_407 = arith.index_cast %get3A_406 : i32 to index
        %get3A_408 = arith.index_cast %scan3A_287 : i32 to index
        %get3A_409 = arith.constant 64 : index
        %get3A_410 = tpu.vector_load %arg7[%get3A_407, %get3A_408, %get3A_409] {strides = array<i32>} : memref<2x100x128xf32, #tpu.memory_space<vmem>>, vector<1x1x16xf32>,
        %get3A_411 = vector.shape_cast %get3A_410 : vector<1x1x16xf32> to vector<16xf32>
        %add3A_412 = arith.constant 0 : i32
        %add3A_413 = arith.addi %add3A_412, %scan3A_287 : i32
        %get3A_414 = arith.index_cast %add3A_413 : i32 to index
        %get3A_415 = arith.constant 64 : index
        %get3A_416 = tpu.vector_load %arg6[%get3A_414, %get3A_415] {strides = array<i32>} : memref<201x128xf32, #tpu.memory_space<vmem>>, vector<1x16xf32>,
        %get3A_417 = vector.shape_cast %get3A_416 : vector<1x16xf32> to vector<16xf32>
        %mul3A_418 = arith.constant 11.3137083 : f32
        %mul3A_419 = vector.broadcast %mul3A_418 : f32 to vector<16xf32>
        %mul3A_420 = arith.mulf %get3A_411, %mul3A_419 : vector<16xf32>
        %mul3A_421 = vector.broadcast %sub3A_294 : f32 to vector<16xf32>
        %mul3A_422 = arith.mulf %get3A_417, %mul3A_421 : vector<16xf32>
        %add3A_423 = arith.addf %mul3A_420, %mul3A_422 : vector<16xf32>
        %mul3A_424 = vector.broadcast %squeeze3A : f32 to vector<16xf32>
        %mul3A_425 = arith.mulf %get3A_26, %mul3A_424 : vector<16xf32>
        %add3A_426 = arith.addf %add3A_423, %mul3A_425 : vector<16xf32>
        %swap3A_427 = arith.constant 0 : i32
        %swap3A_428 = arith.index_cast %swap3A_427 : i32 to index
        %swap3A_429 = arith.index_cast %scan3A_287 : i32 to index
        %swap3A_430 = arith.constant 64 : index
        %swap3A_431 = tpu.vector_load %arg8[%swap3A_428, %swap3A_429, %swap3A_430] {strides = array<i32>} : memref<2x100x128xf32, #tpu.memory_space<vmem>>, vector<1x1x16xf32>,
        %swap3A_432 = vector.shape_cast %swap3A_431 : vector<1x1x16xf32> to vector<16xf32>
        %swap3A_433 = vector.shape_cast %add3A_426 : vector<16xf32> to vector<1x1x16xf32>
        tpu.vector_store %arg8[%swap3A_428, %swap3A_429, %swap3A_430], %swap3A_433 {strides = array<i32>} : memref<2x100x128xf32, #tpu.memory_space<vmem>>, vector<1x1x16xf32>,
        %get3A_434 = arith.constant 0 : i32
        %get3A_435 = arith.index_cast %get3A_434 : i32 to index
        %get3A_436 = arith.index_cast %scan3A_287 : i32 to index
        %get3A_437 = arith.constant 80 : index
        %get3A_438 = tpu.vector_load %arg7[%get3A_435, %get3A_436, %get3A_437] {strides = array<i32>} : memref<2x100x128xf32, #tpu.memory_space<vmem>>, vector<1x1x16xf32>,
        %get3A_439 = vector.shape_cast %get3A_438 : vector<1x1x16xf32> to vector<16xf32>
        %add3A_440 = arith.constant 0 : i32
        %add3A_441 = arith.addi %add3A_440, %scan3A_287 : i32
        %get3A_442 = arith.index_cast %add3A_441 : i32 to index
        %get3A_443 = arith.constant 80 : index
        %get3A_444 = tpu.vector_load %arg6[%get3A_442, %get3A_443] {strides = array<i32>} : memref<201x128xf32, #tpu.memory_space<vmem>>, vector<1x16xf32>,
        %get3A_445 = vector.shape_cast %get3A_444 : vector<1x16xf32> to vector<16xf32>
        %mul3A_446 = arith.constant 11.3137083 : f32
        %mul3A_447 = vector.broadcast %mul3A_446 : f32 to vector<16xf32>
        %mul3A_448 = arith.mulf %get3A_439, %mul3A_447 : vector<16xf32>
        %mul3A_449 = vector.broadcast %sub3A_294 : f32 to vector<16xf32>
        %mul3A_450 = arith.mulf %get3A_445, %mul3A_449 : vector<16xf32>
        %add3A_451 = arith.addf %mul3A_448, %mul3A_450 : vector<16xf32>
        %mul3A_452 = vector.broadcast %squeeze3A : f32 to vector<16xf32>
        %mul3A_453 = arith.mulf %get3A_31, %mul3A_452 : vector<16xf32>
        %add3A_454 = arith.addf %add3A_451, %mul3A_453 : vector<16xf32>
        %swap3A_455 = arith.constant 0 : i32
        %swap3A_456 = arith.index_cast %swap3A_455 : i32 to index
        %swap3A_457 = arith.index_cast %scan3A_287 : i32 to index
        %swap3A_458 = arith.constant 80 : index
        %swap3A_459 = tpu.vector_load %arg8[%swap3A_456, %swap3A_457, %swap3A_458] {strides = array<i32>} : memref<2x100x128xf32, #tpu.memory_space<vmem>>, vector<1x1x16xf32>,
        %swap3A_460 = vector.shape_cast %swap3A_459 : vector<1x1x16xf32> to vector<16xf32>
        %swap3A_461 = vector.shape_cast %add3A_454 : vector<16xf32> to vector<1x1x16xf32>
        tpu.vector_store %arg8[%swap3A_456, %swap3A_457, %swap3A_458], %swap3A_461 {strides = array<i32>} : memref<2x100x128xf32, #tpu.memory_space<vmem>>, vector<1x1x16xf32>,
        %get3A_462 = arith.constant 0 : i32
        %get3A_463 = arith.index_cast %get3A_462 : i32 to index
        %get3A_464 = arith.index_cast %scan3A_287 : i32 to index
        %get3A_465 = arith.constant 96 : index
        %get3A_466 = tpu.vector_load %arg7[%get3A_463, %get3A_464, %get3A_465] {strides = array<i32>} : memref<2x100x128xf32, #tpu.memory_space<vmem>>, vector<1x1x16xf32>,
        %get3A_467 = vector.shape_cast %get3A_466 : vector<1x1x16xf32> to vector<16xf32>
        %add3A_468 = arith.constant 0 : i32
        %add3A_469 = arith.addi %add3A_468, %scan3A_287 : i32
        %get3A_470 = arith.index_cast %add3A_469 : i32 to index
        %get3A_471 = arith.constant 96 : index
        %get3A_472 = tpu.vector_load %arg6[%get3A_470, %get3A_471] {strides = array<i32>} : memref<201x128xf32, #tpu.memory_space<vmem>>, vector<1x16xf32>,
        %get3A_473 = vector.shape_cast %get3A_472 : vector<1x16xf32> to vector<16xf32>
        %mul3A_474 = arith.constant 11.3137083 : f32
        %mul3A_475 = vector.broadcast %mul3A_474 : f32 to vector<16xf32>
        %mul3A_476 = arith.mulf %get3A_467, %mul3A_475 : vector<16xf32>
        %mul3A_477 = vector.broadcast %sub3A_294 : f32 to vector<16xf32>
        %mul3A_478 = arith.mulf %get3A_473, %mul3A_477 : vector<16xf32>
        %add3A_479 = arith.addf %mul3A_476, %mul3A_478 : vector<16xf32>
        %mul3A_480 = vector.broadcast %squeeze3A : f32 to vector<16xf32>
        %mul3A_481 = arith.mulf %get3A_36, %mul3A_480 : vector<16xf32>
        %add3A_482 = arith.addf %add3A_479, %mul3A_481 : vector<16xf32>
        %swap3A_483 = arith.constant 0 : i32
        %swap3A_484 = arith.index_cast %swap3A_483 : i32 to index
        %swap3A_485 = arith.index_cast %scan3A_287 : i32 to index
        %swap3A_486 = arith.constant 96 : index
        %swap3A_487 = tpu.vector_load %arg8[%swap3A_484, %swap3A_485, %swap3A_486] {strides = array<i32>} : memref<2x100x128xf32, #tpu.memory_space<vmem>>, vector<1x1x16xf32>,
        %swap3A_488 = vector.shape_cast %swap3A_487 : vector<1x1x16xf32> to vector<16xf32>
        %swap3A_489 = vector.shape_cast %add3A_482 : vector<16xf32> to vector<1x1x16xf32>
        tpu.vector_store %arg8[%swap3A_484, %swap3A_485, %swap3A_486], %swap3A_489 {strides = array<i32>} : memref<2x100x128xf32, #tpu.memory_space<vmem>>, vector<1x1x16xf32>,
        %get3A_490 = arith.constant 0 : i32
        %get3A_491 = arith.index_cast %get3A_490 : i32 to index
        %get3A_492 = arith.index_cast %scan3A_287 : i32 to index
        %get3A_493 = arith.constant 112 : index
        %get3A_494 = tpu.vector_load %arg7[%get3A_491, %get3A_492, %get3A_493] {strides = array<i32>} : memref<2x100x128xf32, #tpu.memory_space<vmem>>, vector<1x1x16xf32>,
        %get3A_495 = vector.shape_cast %get3A_494 : vector<1x1x16xf32> to vector<16xf32>
        %add3A_496 = arith.constant 0 : i32
        %add3A_497 = arith.addi %add3A_496, %scan3A_287 : i32
        %get3A_498 = arith.index_cast %add3A_497 : i32 to index
        %get3A_499 = arith.constant 112 : index
        %get3A_500 = tpu.vector_load %arg6[%get3A_498, %get3A_499] {strides = array<i32>} : memref<201x128xf32, #tpu.memory_space<vmem>>, vector<1x16xf32>,
        %get3A_501 = vector.shape_cast %get3A_500 : vector<1x16xf32> to vector<16xf32>
        %mul3A_502 = arith.constant 11.3137083 : f32
        %mul3A_503 = vector.broadcast %mul3A_502 : f32 to vector<16xf32>
        %mul3A_504 = arith.mulf %get3A_495, %mul3A_503 : vector<16xf32>
        %mul3A_505 = vector.broadcast %sub3A_294 : f32 to vector<16xf32>
        %mul3A_506 = arith.mulf %get3A_501, %mul3A_505 : vector<16xf32>
        %add3A_507 = arith.addf %mul3A_504, %mul3A_506 : vector<16xf32>
        %mul3A_508 = vector.broadcast %squeeze3A : f32 to vector<16xf32>
        %mul3A_509 = arith.mulf %get3A_41, %mul3A_508 : vector<16xf32>
        %add3A_510 = arith.addf %add3A_507, %mul3A_509 : vector<16xf32>
        %swap3A_511 = arith.constant 0 : i32
        %swap3A_512 = arith.index_cast %swap3A_511 : i32 to index
        %swap3A_513 = arith.index_cast %scan3A_287 : i32 to index
        %swap3A_514 = arith.constant 112 : index
        %swap3A_515 = tpu.vector_load %arg8[%swap3A_512, %swap3A_513, %swap3A_514] {strides = array<i32>} : memref<2x100x128xf32, #tpu.memory_space<vmem>>, vector<1x1x16xf32>,
        %swap3A_516 = vector.shape_cast %swap3A_515 : vector<1x1x16xf32> to vector<16xf32>
        %swap3A_517 = vector.shape_cast %add3A_510 : vector<16xf32> to vector<1x1x16xf32>
        tpu.vector_store %arg8[%swap3A_512, %swap3A_513, %swap3A_514], %swap3A_517 {strides = array<i32>} : memref<2x100x128xf32, #tpu.memory_space<vmem>>, vector<1x1x16xf32>,
      }
      %scan3A_193 = arith.constant 100 : i32
      %dma_start3A_194 = arith.constant 0 : i32
      %dma_start3A_195 = arith.constant 0 : i32
      %dma_start3A_196 = arith.constant 0 : i32
      %dma_start3A_197 = tpu.memref_slice %arg8[%dma_start3A_194, %dma_start3A_195, %dma_start3A_196] : memref<2x100x128xf32, #tpu.memory_space<vmem>> -> memref<1x100x128xf32, #tpu.memory_space<vmem>>
      %dma_start3A_198 = tpu.memref_squeeze %dma_start3A_197 : memref<1x100x128xf32, #tpu.memory_space<vmem>> -> memref<100x128xf32, #tpu.memory_space<vmem>>
      %dma_start3A_199 = arith.constant 0 : i32
      %dma_start3A_200 = arith.constant 0 : i32
      %dma_start3A_201 = tpu.memref_slice %arg5[%add3A_155, %dma_start3A_199, %dma_start3A_200] : memref<1408x100x128xf32, #tpu.memory_space<hbm>> -> memref<1x100x128xf32, #tpu.memory_space<hbm>>
      %dma_start3A_202 = tpu.memref_squeeze %dma_start3A_201 : memref<1x100x128xf32, #tpu.memory_space<hbm>> -> memref<100x128xf32, #tpu.memory_space<hbm>>
      %dma_start3A_203 = arith.constant 0 : i32
      %dma_start3A_204 = arith.constant 0 : i32
      %dma_start3A_205 = tpu.memref_slice %arg5[%add3A_155, %dma_start3A_203, %dma_start3A_204] : memref<1408x100x128xf32, #tpu.memory_space<hbm>> -> memref<1x100x128xf32, #tpu.memory_space<hbm>>
      %dma_start3A_206 = tpu.memref_squeeze %dma_start3A_205 : memref<1x100x128xf32, #tpu.memory_space<hbm>> -> memref<100x128xf32, #tpu.memory_space<hbm>>
      %dma_start3A_207 = arith.constant 0 : i32
      %dma_start3A_208 = arith.constant 0 : i32
      %dma_start3A_209 = tpu.memref_slice %arg8[%dma_start3A_194, %dma_start3A_207, %dma_start3A_208] : memref<2x100x128xf32, #tpu.memory_space<vmem>> -> memref<1x100x128xf32, #tpu.memory_space<vmem>>
      %dma_start3A_210 = tpu.memref_squeeze %dma_start3A_209 : memref<1x100x128xf32, #tpu.memory_space<vmem>> -> memref<100x128xf32, #tpu.memory_space<vmem>>
      tpu.enqueue_dma source(%dma_start3A_210 : memref<100x128xf32, #tpu.memory_space<vmem>>) target(%dma_start3A_206 : memref<100x128xf32, #tpu.memory_space<hbm>>) target_semaphore(%arg12 : memref<!tpu.dma_semaphore, #tpu.memory_space<semaphore_mem>>)
      %add3A_211 = arith.constant 2 : i32
      %add3A_212 = arith.addi %add3A_154, %add3A_211 : i32
      %lt3A = arith.constant 44 : i32
      %lt3A_213 = arith.cmpi slt, %add3A_212, %lt3A : i32
      %convert_element_type3A_214 = arith.extui %lt3A_213 : i1 to i32
      %cond3A_215 = arith.constant 0 : i32
      %cond3A_216 = arith.cmpi ne, %convert_element_type3A_214, %cond3A_215 : i32
      scf.if %cond3A_216 {
        %add3A_287 = arith.constant 2 : i32
        %add3A_288 = arith.addi %add3A_155, %add3A_287 : i32
        %dma_start3A_289 = arith.constant 0 : i32
        %dma_start3A_290 = arith.constant 0 : i32
        %dma_start3A_291 = arith.constant 0 : i32
        %dma_start3A_292 = tpu.memref_slice %arg7[%dma_start3A_289, %dma_start3A_290, %dma_start3A_291] : memref<2x100x128xf32, #tpu.memory_space<vmem>> -> memref<1x100x128xf32, #tpu.memory_space<vmem>>
        %dma_start3A_293 = tpu.memref_squeeze %dma_start3A_292 : memref<1x100x128xf32, #tpu.memory_space<vmem>> -> memref<100x128xf32, #tpu.memory_space<vmem>>
        %dma_start3A_294 = arith.constant 0 : i32
        %dma_start3A_295 = arith.constant 0 : i32
        %dma_start3A_296 = tpu.memref_slice %arg2[%add3A_288, %dma_start3A_294, %dma_start3A_295] : memref<1408x100x128xf32, #tpu.memory_space<hbm>> -> memref<1x100x128xf32, #tpu.memory_space<hbm>>
        %dma_start3A_297 = tpu.memref_squeeze %dma_start3A_296 : memref<1x100x128xf32, #tpu.memory_space<hbm>> -> memref<100x128xf32, #tpu.memory_space<hbm>>
        %dma_start3A_298 = arith.constant 0 : i32
        %dma_start3A_299 = arith.constant 0 : i32
        %dma_start3A_300 = tpu.memref_slice %arg7[%dma_start3A_289, %dma_start3A_298, %dma_start3A_299] : memref<2x100x128xf32, #tpu.memory_space<vmem>> -> memref<1x100x128xf32, #tpu.memory_space<vmem>>
        %dma_start3A_301 = tpu.memref_squeeze %dma_start3A_300 : memref<1x100x128xf32, #tpu.memory_space<vmem>> -> memref<100x128xf32, #tpu.memory_space<vmem>>
        %dma_start3A_302 = arith.constant 0 : i32
        %dma_start3A_303 = arith.constant 0 : i32
        %dma_start3A_304 = tpu.memref_slice %arg2[%add3A_288, %dma_start3A_302, %dma_start3A_303] : memref<1408x100x128xf32, #tpu.memory_space<hbm>> -> memref<1x100x128xf32, #tpu.memory_space<hbm>>
        %dma_start3A_305 = tpu.memref_squeeze %dma_start3A_304 : memref<1x100x128xf32, #tpu.memory_space<hbm>> -> memref<100x128xf32, #tpu.memory_space<hbm>>
        tpu.enqueue_dma source(%dma_start3A_305 : memref<100x128xf32, #tpu.memory_space<hbm>>) target(%dma_start3A_301 : memref<100x128xf32, #tpu.memory_space<vmem>>) target_semaphore(%arg10 : memref<!tpu.dma_semaphore, #tpu.memory_space<semaphore_mem>>)
        %dma_start3A_306 = arith.constant 0 : i32
        %dma_start3A_307 = arith.constant 0 : i32
        %dma_start3A_308 = tpu.memref_slice %arg9[%dma_start3A_306, %dma_start3A_307] : memref<2x120xf32, #tpu.memory_space<vmem>> -> memref<1x120xf32, #tpu.memory_space<vmem>>
        %dma_start3A_309 = tpu.memref_squeeze %dma_start3A_308 : memref<1x120xf32, #tpu.memory_space<vmem>> -> memref<120xf32, #tpu.memory_space<vmem>>
        %dma_start3A_310 = arith.constant 0 : i32
        %dma_start3A_311 = tpu.memref_slice %arg3[%add3A_288, %dma_start3A_310] : memref<1408x120xf32, #tpu.memory_space<hbm>> -> memref<1x120xf32, #tpu.memory_space<hbm>>
        %dma_start3A_312 = tpu.memref_squeeze %dma_start3A_311 : memref<1x120xf32, #tpu.memory_space<hbm>> -> memref<120xf32, #tpu.memory_space<hbm>>
        %dma_start3A_313 = arith.constant 0 : i32
        %dma_start3A_314 = tpu.memref_slice %arg9[%dma_start3A_306, %dma_start3A_313] : memref<2x120xf32, #tpu.memory_space<vmem>> -> memref<1x120xf32, #tpu.memory_space<vmem>>
        %dma_start3A_315 = tpu.memref_squeeze %dma_start3A_314 : memref<1x120xf32, #tpu.memory_space<vmem>> -> memref<120xf32, #tpu.memory_space<vmem>>
        %dma_start3A_316 = arith.constant 0 : i32
        %dma_start3A_317 = tpu.memref_slice %arg3[%add3A_288, %dma_start3A_316] : memref<1408x120xf32, #tpu.memory_space<hbm>> -> memref<1x120xf32, #tpu.memory_space<hbm>>
        %dma_start3A_318 = tpu.memref_squeeze %dma_start3A_317 : memref<1x120xf32, #tpu.memory_space<hbm>> -> memref<120xf32, #tpu.memory_space<hbm>>
        tpu.enqueue_dma source(%dma_start3A_318 : memref<120xf32, #tpu.memory_space<hbm>>) target(%dma_start3A_315 : memref<120xf32, #tpu.memory_space<vmem>>) target_semaphore(%arg10 : memref<!tpu.dma_semaphore, #tpu.memory_space<semaphore_mem>>)
      } else {
      }
      %mul3A_217 = arith.constant 2 : i32
      %mul3A_218 = arith.muli %mul3A_217, %scan3A_150 : i32
      %add3A_219 = arith.constant 1 : i32
      %add3A_220 = arith.addi %mul3A_218, %add3A_219 : i32
      %add3A_221 = arith.addi %mul3A_2, %add3A_220 : i32
      %dma_wait3A_222 = arith.constant 1 : i32
      %dma_wait3A_223 = arith.constant 0 : i32
      %dma_wait3A_224 = arith.constant 0 : i32
      %dma_wait3A_225 = tpu.memref_slice %arg7[%dma_wait3A_222, %dma_wait3A_223, %dma_wait3A_224] : memref<2x100x128xf32, #tpu.memory_space<vmem>> -> memref<1x100x128xf32, #tpu.memory_space<vmem>>
      %dma_wait3A_226 = tpu.memref_squeeze %dma_wait3A_225 : memref<1x100x128xf32, #tpu.memory_space<vmem>> -> memref<100x128xf32, #tpu.memory_space<vmem>>
      %dma_wait3A_227 = arith.constant 0 : i32
      %dma_wait3A_228 = arith.constant 0 : i32
      %dma_wait3A_229 = tpu.memref_slice %arg2[%add3A_221, %dma_wait3A_227, %dma_wait3A_228] : memref<1408x100x128xf32, #tpu.memory_space<hbm>> -> memref<1x100x128xf32, #tpu.memory_space<hbm>>
      %dma_wait3A_230 = tpu.memref_squeeze %dma_wait3A_229 : memref<1x100x128xf32, #tpu.memory_space<hbm>> -> memref<100x128xf32, #tpu.memory_space<hbm>>
      %dma_wait3A_231 = arith.constant 0 : i32
      %dma_wait3A_232 = arith.constant 0 : i32
      %dma_wait3A_233 = tpu.memref_slice %arg7[%dma_wait3A_222, %dma_wait3A_231, %dma_wait3A_232] : memref<2x100x128xf32, #tpu.memory_space<vmem>> -> memref<1x100x128xf32, #tpu.memory_space<vmem>>
      %dma_wait3A_234 = tpu.memref_squeeze %dma_wait3A_233 : memref<1x100x128xf32, #tpu.memory_space<vmem>> -> memref<100x128xf32, #tpu.memory_space<vmem>>
      %dma_wait3A_235 = arith.constant 0 : i32
      %dma_wait3A_236 = arith.constant 0 : i32
      %dma_wait3A_237 = tpu.memref_slice %arg2[%add3A_221, %dma_wait3A_235, %dma_wait3A_236] : memref<1408x100x128xf32, #tpu.memory_space<hbm>> -> memref<1x100x128xf32, #tpu.memory_space<hbm>>
      %dma_wait3A_238 = tpu.memref_squeeze %dma_wait3A_237 : memref<1x100x128xf32, #tpu.memory_space<hbm>> -> memref<100x128xf32, #tpu.memory_space<hbm>>
      tpu.wait_dma2 semaphore(%arg11 : memref<!tpu.dma_semaphore, #tpu.memory_space<semaphore_mem>>) src(%dma_wait3A_238 : memref<100x128xf32, #tpu.memory_space<hbm>>) dst(%dma_wait3A_234 : memref<100x128xf32, #tpu.memory_space<vmem>>)
      %dma_wait3A_239 = arith.constant 1 : i32
      %dma_wait3A_240 = arith.constant 0 : i32
      %dma_wait3A_241 = tpu.memref_slice %arg9[%dma_wait3A_239, %dma_wait3A_240] : memref<2x120xf32, #tpu.memory_space<vmem>> -> memref<1x120xf32, #tpu.memory_space<vmem>>
      %dma_wait3A_242 = tpu.memref_squeeze %dma_wait3A_241 : memref<1x120xf32, #tpu.memory_space<vmem>> -> memref<120xf32, #tpu.memory_space<vmem>>
      %dma_wait3A_243 = arith.constant 0 : i32
      %dma_wait3A_244 = tpu.memref_slice %arg3[%add3A_221, %dma_wait3A_243] : memref<1408x120xf32, #tpu.memory_space<hbm>> -> memref<1x120xf32, #tpu.memory_space<hbm>>
      %dma_wait3A_245 = tpu.memref_squeeze %dma_wait3A_244 : memref<1x120xf32, #tpu.memory_space<hbm>> -> memref<120xf32, #tpu.memory_space<hbm>>
      %dma_wait3A_246 = arith.constant 0 : i32
      %dma_wait3A_247 = tpu.memref_slice %arg9[%dma_wait3A_239, %dma_wait3A_246] : memref<2x120xf32, #tpu.memory_space<vmem>> -> memref<1x120xf32, #tpu.memory_space<vmem>>
      %dma_wait3A_248 = tpu.memref_squeeze %dma_wait3A_247 : memref<1x120xf32, #tpu.memory_space<vmem>> -> memref<120xf32, #tpu.memory_space<vmem>>
      %dma_wait3A_249 = arith.constant 0 : i32
      %dma_wait3A_250 = tpu.memref_slice %arg3[%add3A_221, %dma_wait3A_249] : memref<1408x120xf32, #tpu.memory_space<hbm>> -> memref<1x120xf32, #tpu.memory_space<hbm>>
      %dma_wait3A_251 = tpu.memref_squeeze %dma_wait3A_250 : memref<1x120xf32, #tpu.memory_space<hbm>> -> memref<120xf32, #tpu.memory_space<hbm>>
      tpu.wait_dma2 semaphore(%arg11 : memref<!tpu.dma_semaphore, #tpu.memory_space<semaphore_mem>>) src(%dma_wait3A_251 : memref<120xf32, #tpu.memory_space<hbm>>) dst(%dma_wait3A_248 : memref<120xf32, #tpu.memory_space<vmem>>)
      %gt3A_252 = arith.constant 0 : i32
      %gt3A_253 = arith.cmpi sgt, %scan3A_150, %gt3A_252 : i32
      %convert_element_type3A_254 = arith.extui %gt3A_253 : i1 to i32
      %cond3A_255 = arith.constant 0 : i32
      %cond3A_256 = arith.cmpi ne, %convert_element_type3A_254, %cond3A_255 : i32
      scf.if %cond3A_256 {
        %sub3A_287 = arith.constant 2 : i32
        %sub3A_288 = arith.subi %add3A_221, %sub3A_287 : i32
        %dma_wait3A_289 = arith.constant 1 : i32
        %dma_wait3A_290 = arith.constant 0 : i32
        %dma_wait3A_291 = arith.constant 0 : i32
        %dma_wait3A_292 = tpu.memref_slice %arg8[%dma_wait3A_289, %dma_wait3A_290, %dma_wait3A_291] : memref<2x100x128xf32, #tpu.memory_space<vmem>> -> memref<1x100x128xf32, #tpu.memory_space<vmem>>
        %dma_wait3A_293 = tpu.memref_squeeze %dma_wait3A_292 : memref<1x100x128xf32, #tpu.memory_space<vmem>> -> memref<100x128xf32, #tpu.memory_space<vmem>>
        %dma_wait3A_294 = arith.constant 0 : i32
        %dma_wait3A_295 = arith.constant 0 : i32
        %dma_wait3A_296 = tpu.memref_slice %arg5[%sub3A_288, %dma_wait3A_294, %dma_wait3A_295] : memref<1408x100x128xf32, #tpu.memory_space<hbm>> -> memref<1x100x128xf32, #tpu.memory_space<hbm>>
        %dma_wait3A_297 = tpu.memref_squeeze %dma_wait3A_296 : memref<1x100x128xf32, #tpu.memory_space<hbm>> -> memref<100x128xf32, #tpu.memory_space<hbm>>
        %dma_wait3A_298 = arith.constant 0 : i32
        %dma_wait3A_299 = arith.constant 0 : i32
        %dma_wait3A_300 = tpu.memref_slice %arg5[%sub3A_288, %dma_wait3A_298, %dma_wait3A_299] : memref<1408x100x128xf32, #tpu.memory_space<hbm>> -> memref<1x100x128xf32, #tpu.memory_space<hbm>>
        %dma_wait3A_301 = tpu.memref_squeeze %dma_wait3A_300 : memref<1x100x128xf32, #tpu.memory_space<hbm>> -> memref<100x128xf32, #tpu.memory_space<hbm>>
        %dma_wait3A_302 = arith.constant 0 : i32
        %dma_wait3A_303 = arith.constant 0 : i32
        %dma_wait3A_304 = tpu.memref_slice %arg8[%dma_wait3A_289, %dma_wait3A_302, %dma_wait3A_303] : memref<2x100x128xf32, #tpu.memory_space<vmem>> -> memref<1x100x128xf32, #tpu.memory_space<vmem>>
        %dma_wait3A_305 = tpu.memref_squeeze %dma_wait3A_304 : memref<1x100x128xf32, #tpu.memory_space<vmem>> -> memref<100x128xf32, #tpu.memory_space<vmem>>
        tpu.wait_dma2 semaphore(%arg13 : memref<!tpu.dma_semaphore, #tpu.memory_space<semaphore_mem>>) src(%dma_wait3A_305 : memref<100x128xf32, #tpu.memory_space<vmem>>) dst(%dma_wait3A_301 : memref<100x128xf32, #tpu.memory_space<hbm>>)
      } else {
      }
      %scan3A_257 = arith.constant 0 : i32
      %scan3A_258 = arith.constant 0 : i32
      %scan3A_259 = arith.constant 100 : i32
      %scan3A_260 = arith.addi %scan3A_258, %scan3A_259 : i32
      %scan3A_261 = arith.constant 1 : i32
      scf.for %scan3A_287 = %scan3A_258 to %scan3A_260 step %scan3A_261  : i32 {
        %get3A_288 = arith.constant 1 : i32
        %get3A_289 = arith.index_cast %get3A_288 : i32 to index
        %get3A_290 = arith.index_cast %scan3A_287 : i32 to index
        %get3A_291 = tpu.vector_load %arg9[%get3A_289, %get3A_290] {strides = array<i32>} : memref<2x120xf32, #tpu.memory_space<vmem>>, vector<1x16xf32>,
        %get3A_292 = vector.shape_cast %get3A_291 : vector<1x16xf32> to vector<16xf32>
        %slice3A = vector.extract_strided_slice %get3A_292 {offsets = [0], sizes = [1], strides = [1]} : vector<16xf32> to vector<1xf32>
        %squeeze3A = vector.extract %slice3A[0] : f32 from vector<1xf32>
        %sub3A_293 = arith.constant 1.000000e+00 : f32
        %sub3A_294 = arith.subf %sub3A_293, %squeeze3A : f32
        %get3A_295 = arith.constant 1 : i32
        %get3A_296 = arith.index_cast %get3A_295 : i32 to index
        %get3A_297 = arith.index_cast %scan3A_287 : i32 to index
        %get3A_298 = arith.constant 0 : index
        %get3A_299 = tpu.vector_load %arg7[%get3A_296, %get3A_297, %get3A_298] {strides = array<i32>} : memref<2x100x128xf32, #tpu.memory_space<vmem>>, vector<1x1x16xf32>,
        %get3A_300 = vector.shape_cast %get3A_299 : vector<1x1x16xf32> to vector<16xf32>
        %add3A_301 = arith.constant 100 : i32
        %add3A_302 = arith.addi %add3A_301, %scan3A_287 : i32
        %get3A_303 = arith.index_cast %add3A_302 : i32 to index
        %get3A_304 = arith.constant 0 : index
        %get3A_305 = tpu.vector_load %arg6[%get3A_303, %get3A_304] {strides = array<i32>} : memref<201x128xf32, #tpu.memory_space<vmem>>, vector<1x16xf32>,
        %get3A_306 = vector.shape_cast %get3A_305 : vector<1x16xf32> to vector<16xf32>
        %mul3A_307 = arith.constant 11.3137083 : f32
        %mul3A_308 = vector.broadcast %mul3A_307 : f32 to vector<16xf32>
        %mul3A_309 = arith.mulf %get3A_300, %mul3A_308 : vector<16xf32>
        %mul3A_310 = vector.broadcast %sub3A_294 : f32 to vector<16xf32>
        %mul3A_311 = arith.mulf %get3A_306, %mul3A_310 : vector<16xf32>
        %add3A_312 = arith.addf %mul3A_309, %mul3A_311 : vector<16xf32>
        %mul3A_313 = vector.broadcast %squeeze3A : f32 to vector<16xf32>
        %mul3A_314 = arith.mulf %get3A_6, %mul3A_313 : vector<16xf32>
        %add3A_315 = arith.addf %add3A_312, %mul3A_314 : vector<16xf32>
        %swap3A = arith.constant 1 : i32
        %swap3A_316 = arith.index_cast %swap3A : i32 to index
        %swap3A_317 = arith.index_cast %scan3A_287 : i32 to index
        %swap3A_318 = arith.constant 0 : index
        %swap3A_319 = tpu.vector_load %arg8[%swap3A_316, %swap3A_317, %swap3A_318] {strides = array<i32>} : memref<2x100x128xf32, #tpu.memory_space<vmem>>, vector<1x1x16xf32>,
        %swap3A_320 = vector.shape_cast %swap3A_319 : vector<1x1x16xf32> to vector<16xf32>
        %swap3A_321 = vector.shape_cast %add3A_315 : vector<16xf32> to vector<1x1x16xf32>
        tpu.vector_store %arg8[%swap3A_316, %swap3A_317, %swap3A_318], %swap3A_321 {strides = array<i32>} : memref<2x100x128xf32, #tpu.memory_space<vmem>>, vector<1x1x16xf32>,
        %get3A_322 = arith.constant 1 : i32
        %get3A_323 = arith.index_cast %get3A_322 : i32 to index
        %get3A_324 = arith.index_cast %scan3A_287 : i32 to index
        %get3A_325 = arith.constant 16 : index
        %get3A_326 = tpu.vector_load %arg7[%get3A_323, %get3A_324, %get3A_325] {strides = array<i32>} : memref<2x100x128xf32, #tpu.memory_space<vmem>>, vector<1x1x16xf32>,
        %get3A_327 = vector.shape_cast %get3A_326 : vector<1x1x16xf32> to vector<16xf32>
        %add3A_328 = arith.constant 100 : i32
        %add3A_329 = arith.addi %add3A_328, %scan3A_287 : i32
        %get3A_330 = arith.index_cast %add3A_329 : i32 to index
        %get3A_331 = arith.constant 16 : index
        %get3A_332 = tpu.vector_load %arg6[%get3A_330, %get3A_331] {strides = array<i32>} : memref<201x128xf32, #tpu.memory_space<vmem>>, vector<1x16xf32>,
        %get3A_333 = vector.shape_cast %get3A_332 : vector<1x16xf32> to vector<16xf32>
        %mul3A_334 = arith.constant 11.3137083 : f32
        %mul3A_335 = vector.broadcast %mul3A_334 : f32 to vector<16xf32>
        %mul3A_336 = arith.mulf %get3A_327, %mul3A_335 : vector<16xf32>
        %mul3A_337 = vector.broadcast %sub3A_294 : f32 to vector<16xf32>
        %mul3A_338 = arith.mulf %get3A_333, %mul3A_337 : vector<16xf32>
        %add3A_339 = arith.addf %mul3A_336, %mul3A_338 : vector<16xf32>
        %mul3A_340 = vector.broadcast %squeeze3A : f32 to vector<16xf32>
        %mul3A_341 = arith.mulf %get3A_11, %mul3A_340 : vector<16xf32>
        %add3A_342 = arith.addf %add3A_339, %mul3A_341 : vector<16xf32>
        %swap3A_343 = arith.constant 1 : i32
        %swap3A_344 = arith.index_cast %swap3A_343 : i32 to index
        %swap3A_345 = arith.index_cast %scan3A_287 : i32 to index
        %swap3A_346 = arith.constant 16 : index
        %swap3A_347 = tpu.vector_load %arg8[%swap3A_344, %swap3A_345, %swap3A_346] {strides = array<i32>} : memref<2x100x128xf32, #tpu.memory_space<vmem>>, vector<1x1x16xf32>,
        %swap3A_348 = vector.shape_cast %swap3A_347 : vector<1x1x16xf32> to vector<16xf32>
        %swap3A_349 = vector.shape_cast %add3A_342 : vector<16xf32> to vector<1x1x16xf32>
        tpu.vector_store %arg8[%swap3A_344, %swap3A_345, %swap3A_346], %swap3A_349 {strides = array<i32>} : memref<2x100x128xf32, #tpu.memory_space<vmem>>, vector<1x1x16xf32>,
        %get3A_350 = arith.constant 1 : i32
        %get3A_351 = arith.index_cast %get3A_350 : i32 to index
        %get3A_352 = arith.index_cast %scan3A_287 : i32 to index
        %get3A_353 = arith.constant 32 : index
        %get3A_354 = tpu.vector_load %arg7[%get3A_351, %get3A_352, %get3A_353] {strides = array<i32>} : memref<2x100x128xf32, #tpu.memory_space<vmem>>, vector<1x1x16xf32>,
        %get3A_355 = vector.shape_cast %get3A_354 : vector<1x1x16xf32> to vector<16xf32>
        %add3A_356 = arith.constant 100 : i32
        %add3A_357 = arith.addi %add3A_356, %scan3A_287 : i32
        %get3A_358 = arith.index_cast %add3A_357 : i32 to index
        %get3A_359 = arith.constant 32 : index
        %get3A_360 = tpu.vector_load %arg6[%get3A_358, %get3A_359] {strides = array<i32>} : memref<201x128xf32, #tpu.memory_space<vmem>>, vector<1x16xf32>,
        %get3A_361 = vector.shape_cast %get3A_360 : vector<1x16xf32> to vector<16xf32>
        %mul3A_362 = arith.constant 11.3137083 : f32
        %mul3A_363 = vector.broadcast %mul3A_362 : f32 to vector<16xf32>
        %mul3A_364 = arith.mulf %get3A_355, %mul3A_363 : vector<16xf32>
        %mul3A_365 = vector.broadcast %sub3A_294 : f32 to vector<16xf32>
        %mul3A_366 = arith.mulf %get3A_361, %mul3A_365 : vector<16xf32>
        %add3A_367 = arith.addf %mul3A_364, %mul3A_366 : vector<16xf32>
        %mul3A_368 = vector.broadcast %squeeze3A : f32 to vector<16xf32>
        %mul3A_369 = arith.mulf %get3A_16, %mul3A_368 : vector<16xf32>
        %add3A_370 = arith.addf %add3A_367, %mul3A_369 : vector<16xf32>
        %swap3A_371 = arith.constant 1 : i32
        %swap3A_372 = arith.index_cast %swap3A_371 : i32 to index
        %swap3A_373 = arith.index_cast %scan3A_287 : i32 to index
        %swap3A_374 = arith.constant 32 : index
        %swap3A_375 = tpu.vector_load %arg8[%swap3A_372, %swap3A_373, %swap3A_374] {strides = array<i32>} : memref<2x100x128xf32, #tpu.memory_space<vmem>>, vector<1x1x16xf32>,
        %swap3A_376 = vector.shape_cast %swap3A_375 : vector<1x1x16xf32> to vector<16xf32>
        %swap3A_377 = vector.shape_cast %add3A_370 : vector<16xf32> to vector<1x1x16xf32>
        tpu.vector_store %arg8[%swap3A_372, %swap3A_373, %swap3A_374], %swap3A_377 {strides = array<i32>} : memref<2x100x128xf32, #tpu.memory_space<vmem>>, vector<1x1x16xf32>,
        %get3A_378 = arith.constant 1 : i32
        %get3A_379 = arith.index_cast %get3A_378 : i32 to index
        %get3A_380 = arith.index_cast %scan3A_287 : i32 to index
        %get3A_381 = arith.constant 48 : index
        %get3A_382 = tpu.vector_load %arg7[%get3A_379, %get3A_380, %get3A_381] {strides = array<i32>} : memref<2x100x128xf32, #tpu.memory_space<vmem>>, vector<1x1x16xf32>,
        %get3A_383 = vector.shape_cast %get3A_382 : vector<1x1x16xf32> to vector<16xf32>
        %add3A_384 = arith.constant 100 : i32
        %add3A_385 = arith.addi %add3A_384, %scan3A_287 : i32
        %get3A_386 = arith.index_cast %add3A_385 : i32 to index
        %get3A_387 = arith.constant 48 : index
        %get3A_388 = tpu.vector_load %arg6[%get3A_386, %get3A_387] {strides = array<i32>} : memref<201x128xf32, #tpu.memory_space<vmem>>, vector<1x16xf32>,
        %get3A_389 = vector.shape_cast %get3A_388 : vector<1x16xf32> to vector<16xf32>
        %mul3A_390 = arith.constant 11.3137083 : f32
        %mul3A_391 = vector.broadcast %mul3A_390 : f32 to vector<16xf32>
        %mul3A_392 = arith.mulf %get3A_383, %mul3A_391 : vector<16xf32>
        %mul3A_393 = vector.broadcast %sub3A_294 : f32 to vector<16xf32>
        %mul3A_394 = arith.mulf %get3A_389, %mul3A_393 : vector<16xf32>
        %add3A_395 = arith.addf %mul3A_392, %mul3A_394 : vector<16xf32>
        %mul3A_396 = vector.broadcast %squeeze3A : f32 to vector<16xf32>
        %mul3A_397 = arith.mulf %get3A_21, %mul3A_396 : vector<16xf32>
        %add3A_398 = arith.addf %add3A_395, %mul3A_397 : vector<16xf32>
        %swap3A_399 = arith.constant 1 : i32
        %swap3A_400 = arith.index_cast %swap3A_399 : i32 to index
        %swap3A_401 = arith.index_cast %scan3A_287 : i32 to index
        %swap3A_402 = arith.constant 48 : index
        %swap3A_403 = tpu.vector_load %arg8[%swap3A_400, %swap3A_401, %swap3A_402] {strides = array<i32>} : memref<2x100x128xf32, #tpu.memory_space<vmem>>, vector<1x1x16xf32>,
        %swap3A_404 = vector.shape_cast %swap3A_403 : vector<1x1x16xf32> to vector<16xf32>
        %swap3A_405 = vector.shape_cast %add3A_398 : vector<16xf32> to vector<1x1x16xf32>
        tpu.vector_store %arg8[%swap3A_400, %swap3A_401, %swap3A_402], %swap3A_405 {strides = array<i32>} : memref<2x100x128xf32, #tpu.memory_space<vmem>>, vector<1x1x16xf32>,
        %get3A_406 = arith.constant 1 : i32
        %get3A_407 = arith.index_cast %get3A_406 : i32 to index
        %get3A_408 = arith.index_cast %scan3A_287 : i32 to index
        %get3A_409 = arith.constant 64 : index
        %get3A_410 = tpu.vector_load %arg7[%get3A_407, %get3A_408, %get3A_409] {strides = array<i32>} : memref<2x100x128xf32, #tpu.memory_space<vmem>>, vector<1x1x16xf32>,
        %get3A_411 = vector.shape_cast %get3A_410 : vector<1x1x16xf32> to vector<16xf32>
        %add3A_412 = arith.constant 100 : i32
        %add3A_413 = arith.addi %add3A_412, %scan3A_287 : i32
        %get3A_414 = arith.index_cast %add3A_413 : i32 to index
        %get3A_415 = arith.constant 64 : index
        %get3A_416 = tpu.vector_load %arg6[%get3A_414, %get3A_415] {strides = array<i32>} : memref<201x128xf32, #tpu.memory_space<vmem>>, vector<1x16xf32>,
        %get3A_417 = vector.shape_cast %get3A_416 : vector<1x16xf32> to vector<16xf32>
        %mul3A_418 = arith.constant 11.3137083 : f32
        %mul3A_419 = vector.broadcast %mul3A_418 : f32 to vector<16xf32>
        %mul3A_420 = arith.mulf %get3A_411, %mul3A_419 : vector<16xf32>
        %mul3A_421 = vector.broadcast %sub3A_294 : f32 to vector<16xf32>
        %mul3A_422 = arith.mulf %get3A_417, %mul3A_421 : vector<16xf32>
        %add3A_423 = arith.addf %mul3A_420, %mul3A_422 : vector<16xf32>
        %mul3A_424 = vector.broadcast %squeeze3A : f32 to vector<16xf32>
        %mul3A_425 = arith.mulf %get3A_26, %mul3A_424 : vector<16xf32>
        %add3A_426 = arith.addf %add3A_423, %mul3A_425 : vector<16xf32>
        %swap3A_427 = arith.constant 1 : i32
        %swap3A_428 = arith.index_cast %swap3A_427 : i32 to index
        %swap3A_429 = arith.index_cast %scan3A_287 : i32 to index
        %swap3A_430 = arith.constant 64 : index
        %swap3A_431 = tpu.vector_load %arg8[%swap3A_428, %swap3A_429, %swap3A_430] {strides = array<i32>} : memref<2x100x128xf32, #tpu.memory_space<vmem>>, vector<1x1x16xf32>,
        %swap3A_432 = vector.shape_cast %swap3A_431 : vector<1x1x16xf32> to vector<16xf32>
        %swap3A_433 = vector.shape_cast %add3A_426 : vector<16xf32> to vector<1x1x16xf32>
        tpu.vector_store %arg8[%swap3A_428, %swap3A_429, %swap3A_430], %swap3A_433 {strides = array<i32>} : memref<2x100x128xf32, #tpu.memory_space<vmem>>, vector<1x1x16xf32>,
        %get3A_434 = arith.constant 1 : i32
        %get3A_435 = arith.index_cast %get3A_434 : i32 to index
        %get3A_436 = arith.index_cast %scan3A_287 : i32 to index
        %get3A_437 = arith.constant 80 : index
        %get3A_438 = tpu.vector_load %arg7[%get3A_435, %get3A_436, %get3A_437] {strides = array<i32>} : memref<2x100x128xf32, #tpu.memory_space<vmem>>, vector<1x1x16xf32>,
        %get3A_439 = vector.shape_cast %get3A_438 : vector<1x1x16xf32> to vector<16xf32>
        %add3A_440 = arith.constant 100 : i32
        %add3A_441 = arith.addi %add3A_440, %scan3A_287 : i32
        %get3A_442 = arith.index_cast %add3A_441 : i32 to index
        %get3A_443 = arith.constant 80 : index
        %get3A_444 = tpu.vector_load %arg6[%get3A_442, %get3A_443] {strides = array<i32>} : memref<201x128xf32, #tpu.memory_space<vmem>>, vector<1x16xf32>,
        %get3A_445 = vector.shape_cast %get3A_444 : vector<1x16xf32> to vector<16xf32>
        %mul3A_446 = arith.constant 11.3137083 : f32
        %mul3A_447 = vector.broadcast %mul3A_446 : f32 to vector<16xf32>
        %mul3A_448 = arith.mulf %get3A_439, %mul3A_447 : vector<16xf32>
        %mul3A_449 = vector.broadcast %sub3A_294 : f32 to vector<16xf32>
        %mul3A_450 = arith.mulf %get3A_445, %mul3A_449 : vector<16xf32>
        %add3A_451 = arith.addf %mul3A_448, %mul3A_450 : vector<16xf32>
        %mul3A_452 = vector.broadcast %squeeze3A : f32 to vector<16xf32>
        %mul3A_453 = arith.mulf %get3A_31, %mul3A_452 : vector<16xf32>
        %add3A_454 = arith.addf %add3A_451, %mul3A_453 : vector<16xf32>
        %swap3A_455 = arith.constant 1 : i32
        %swap3A_456 = arith.index_cast %swap3A_455 : i32 to index
        %swap3A_457 = arith.index_cast %scan3A_287 : i32 to index
        %swap3A_458 = arith.constant 80 : index
        %swap3A_459 = tpu.vector_load %arg8[%swap3A_456, %swap3A_457, %swap3A_458] {strides = array<i32>} : memref<2x100x128xf32, #tpu.memory_space<vmem>>, vector<1x1x16xf32>,
        %swap3A_460 = vector.shape_cast %swap3A_459 : vector<1x1x16xf32> to vector<16xf32>
        %swap3A_461 = vector.shape_cast %add3A_454 : vector<16xf32> to vector<1x1x16xf32>
        tpu.vector_store %arg8[%swap3A_456, %swap3A_457, %swap3A_458], %swap3A_461 {strides = array<i32>} : memref<2x100x128xf32, #tpu.memory_space<vmem>>, vector<1x1x16xf32>,
        %get3A_462 = arith.constant 1 : i32
        %get3A_463 = arith.index_cast %get3A_462 : i32 to index
        %get3A_464 = arith.index_cast %scan3A_287 : i32 to index
        %get3A_465 = arith.constant 96 : index
        %get3A_466 = tpu.vector_load %arg7[%get3A_463, %get3A_464, %get3A_465] {strides = array<i32>} : memref<2x100x128xf32, #tpu.memory_space<vmem>>, vector<1x1x16xf32>,
        %get3A_467 = vector.shape_cast %get3A_466 : vector<1x1x16xf32> to vector<16xf32>
        %add3A_468 = arith.constant 100 : i32
        %add3A_469 = arith.addi %add3A_468, %scan3A_287 : i32
        %get3A_470 = arith.index_cast %add3A_469 : i32 to index
        %get3A_471 = arith.constant 96 : index
        %get3A_472 = tpu.vector_load %arg6[%get3A_470, %get3A_471] {strides = array<i32>} : memref<201x128xf32, #tpu.memory_space<vmem>>, vector<1x16xf32>,
        %get3A_473 = vector.shape_cast %get3A_472 : vector<1x16xf32> to vector<16xf32>
        %mul3A_474 = arith.constant 11.3137083 : f32
        %mul3A_475 = vector.broadcast %mul3A_474 : f32 to vector<16xf32>
        %mul3A_476 = arith.mulf %get3A_467, %mul3A_475 : vector<16xf32>
        %mul3A_477 = vector.broadcast %sub3A_294 : f32 to vector<16xf32>
        %mul3A_478 = arith.mulf %get3A_473, %mul3A_477 : vector<16xf32>
        %add3A_479 = arith.addf %mul3A_476, %mul3A_478 : vector<16xf32>
        %mul3A_480 = vector.broadcast %squeeze3A : f32 to vector<16xf32>
        %mul3A_481 = arith.mulf %get3A_36, %mul3A_480 : vector<16xf32>
        %add3A_482 = arith.addf %add3A_479, %mul3A_481 : vector<16xf32>
        %swap3A_483 = arith.constant 1 : i32
        %swap3A_484 = arith.index_cast %swap3A_483 : i32 to index
        %swap3A_485 = arith.index_cast %scan3A_287 : i32 to index
        %swap3A_486 = arith.constant 96 : index
        %swap3A_487 = tpu.vector_load %arg8[%swap3A_484, %swap3A_485, %swap3A_486] {strides = array<i32>} : memref<2x100x128xf32, #tpu.memory_space<vmem>>, vector<1x1x16xf32>,
        %swap3A_488 = vector.shape_cast %swap3A_487 : vector<1x1x16xf32> to vector<16xf32>
        %swap3A_489 = vector.shape_cast %add3A_482 : vector<16xf32> to vector<1x1x16xf32>
        tpu.vector_store %arg8[%swap3A_484, %swap3A_485, %swap3A_486], %swap3A_489 {strides = array<i32>} : memref<2x100x128xf32, #tpu.memory_space<vmem>>, vector<1x1x16xf32>,
        %get3A_490 = arith.constant 1 : i32
        %get3A_491 = arith.index_cast %get3A_490 : i32 to index
        %get3A_492 = arith.index_cast %scan3A_287 : i32 to index
        %get3A_493 = arith.constant 112 : index
        %get3A_494 = tpu.vector_load %arg7[%get3A_491, %get3A_492, %get3A_493] {strides = array<i32>} : memref<2x100x128xf32, #tpu.memory_space<vmem>>, vector<1x1x16xf32>,
        %get3A_495 = vector.shape_cast %get3A_494 : vector<1x1x16xf32> to vector<16xf32>
        %add3A_496 = arith.constant 100 : i32
        %add3A_497 = arith.addi %add3A_496, %scan3A_287 : i32
        %get3A_498 = arith.index_cast %add3A_497 : i32 to index
        %get3A_499 = arith.constant 112 : index
        %get3A_500 = tpu.vector_load %arg6[%get3A_498, %get3A_499] {strides = array<i32>} : memref<201x128xf32, #tpu.memory_space<vmem>>, vector<1x16xf32>,
        %get3A_501 = vector.shape_cast %get3A_500 : vector<1x16xf32> to vector<16xf32>
        %mul3A_502 = arith.constant 11.3137083 : f32
        %mul3A_503 = vector.broadcast %mul3A_502 : f32 to vector<16xf32>
        %mul3A_504 = arith.mulf %get3A_495, %mul3A_503 : vector<16xf32>
        %mul3A_505 = vector.broadcast %sub3A_294 : f32 to vector<16xf32>
        %mul3A_506 = arith.mulf %get3A_501, %mul3A_505 : vector<16xf32>
        %add3A_507 = arith.addf %mul3A_504, %mul3A_506 : vector<16xf32>
        %mul3A_508 = vector.broadcast %squeeze3A : f32 to vector<16xf32>
        %mul3A_509 = arith.mulf %get3A_41, %mul3A_508 : vector<16xf32>
        %add3A_510 = arith.addf %add3A_507, %mul3A_509 : vector<16xf32>
        %swap3A_511 = arith.constant 1 : i32
        %swap3A_512 = arith.index_cast %swap3A_511 : i32 to index
        %swap3A_513 = arith.index_cast %scan3A_287 : i32 to index
        %swap3A_514 = arith.constant 112 : index
        %swap3A_515 = tpu.vector_load %arg8[%swap3A_512, %swap3A_513, %swap3A_514] {strides = array<i32>} : memref<2x100x128xf32, #tpu.memory_space<vmem>>, vector<1x1x16xf32>,
        %swap3A_516 = vector.shape_cast %swap3A_515 : vector<1x1x16xf32> to vector<16xf32>
        %swap3A_517 = vector.shape_cast %add3A_510 : vector<16xf32> to vector<1x1x16xf32>
        tpu.vector_store %arg8[%swap3A_512, %swap3A_513, %swap3A_514], %swap3A_517 {strides = array<i32>} : memref<2x100x128xf32, #tpu.memory_space<vmem>>, vector<1x1x16xf32>,
      }
      %scan3A_262 = arith.constant 100 : i32
      %dma_start3A_263 = arith.constant 1 : i32
      %dma_start3A_264 = arith.constant 0 : i32
      %dma_start3A_265 = arith.constant 0 : i32
      %dma_start3A_266 = tpu.memref_slice %arg8[%dma_start3A_263, %dma_start3A_264, %dma_start3A_265] : memref<2x100x128xf32, #tpu.memory_space<vmem>> -> memref<1x100x128xf32, #tpu.memory_space<vmem>>
      %dma_start3A_267 = tpu.memref_squeeze %dma_start3A_266 : memref<1x100x128xf32, #tpu.memory_space<vmem>> -> memref<100x128xf32, #tpu.memory_space<vmem>>
      %dma_start3A_268 = arith.constant 0 : i32
      %dma_start3A_269 = arith.constant 0 : i32
      %dma_start3A_270 = tpu.memref_slice %arg5[%add3A_221, %dma_start3A_268, %dma_start3A_269] : memref<1408x100x128xf32, #tpu.memory_space<hbm>> -> memref<1x100x128xf32, #tpu.memory_space<hbm>>
      %dma_start3A_271 = tpu.memref_squeeze %dma_start3A_270 : memref<1x100x128xf32, #tpu.memory_space<hbm>> -> memref<100x128xf32, #tpu.memory_space<hbm>>
      %dma_start3A_272 = arith.constant 0 : i32
      %dma_start3A_273 = arith.constant 0 : i32
      %dma_start3A_274 = tpu.memref_slice %arg5[%add3A_221, %dma_start3A_272, %dma_start3A_273] : memref<1408x100x128xf32, #tpu.memory_space<hbm>> -> memref<1x100x128xf32, #tpu.memory_space<hbm>>
      %dma_start3A_275 = tpu.memref_squeeze %dma_start3A_274 : memref<1x100x128xf32, #tpu.memory_space<hbm>> -> memref<100x128xf32, #tpu.memory_space<hbm>>
      %dma_start3A_276 = arith.constant 0 : i32
      %dma_start3A_277 = arith.constant 0 : i32
      %dma_start3A_278 = tpu.memref_slice %arg8[%dma_start3A_263, %dma_start3A_276, %dma_start3A_277] : memref<2x100x128xf32, #tpu.memory_space<vmem>> -> memref<1x100x128xf32, #tpu.memory_space<vmem>>
      %dma_start3A_279 = tpu.memref_squeeze %dma_start3A_278 : memref<1x100x128xf32, #tpu.memory_space<vmem>> -> memref<100x128xf32, #tpu.memory_space<vmem>>
      tpu.enqueue_dma source(%dma_start3A_279 : memref<100x128xf32, #tpu.memory_space<vmem>>) target(%dma_start3A_275 : memref<100x128xf32, #tpu.memory_space<hbm>>) target_semaphore(%arg13 : memref<!tpu.dma_semaphore, #tpu.memory_space<semaphore_mem>>)
      %add3A_280 = arith.constant 2 : i32
      %add3A_281 = arith.addi %add3A_220, %add3A_280 : i32
      %lt3A_282 = arith.constant 44 : i32
      %lt3A_283 = arith.cmpi slt, %add3A_281, %lt3A_282 : i32
      %convert_element_type3A_284 = arith.extui %lt3A_283 : i1 to i32
      %cond3A_285 = arith.constant 0 : i32
      %cond3A_286 = arith.cmpi ne, %convert_element_type3A_284, %cond3A_285 : i32
      scf.if %cond3A_286 {
        %add3A_287 = arith.constant 2 : i32
        %add3A_288 = arith.addi %add3A_221, %add3A_287 : i32
        %dma_start3A_289 = arith.constant 1 : i32
        %dma_start3A_290 = arith.constant 0 : i32
        %dma_start3A_291 = arith.constant 0 : i32
        %dma_start3A_292 = tpu.memref_slice %arg7[%dma_start3A_289, %dma_start3A_290, %dma_start3A_291] : memref<2x100x128xf32, #tpu.memory_space<vmem>> -> memref<1x100x128xf32, #tpu.memory_space<vmem>>
        %dma_start3A_293 = tpu.memref_squeeze %dma_start3A_292 : memref<1x100x128xf32, #tpu.memory_space<vmem>> -> memref<100x128xf32, #tpu.memory_space<vmem>>
        %dma_start3A_294 = arith.constant 0 : i32
        %dma_start3A_295 = arith.constant 0 : i32
        %dma_start3A_296 = tpu.memref_slice %arg2[%add3A_288, %dma_start3A_294, %dma_start3A_295] : memref<1408x100x128xf32, #tpu.memory_space<hbm>> -> memref<1x100x128xf32, #tpu.memory_space<hbm>>
        %dma_start3A_297 = tpu.memref_squeeze %dma_start3A_296 : memref<1x100x128xf32, #tpu.memory_space<hbm>> -> memref<100x128xf32, #tpu.memory_space<hbm>>
        %dma_start3A_298 = arith.constant 0 : i32
        %dma_start3A_299 = arith.constant 0 : i32
        %dma_start3A_300 = tpu.memref_slice %arg7[%dma_start3A_289, %dma_start3A_298, %dma_start3A_299] : memref<2x100x128xf32, #tpu.memory_space<vmem>> -> memref<1x100x128xf32, #tpu.memory_space<vmem>>
        %dma_start3A_301 = tpu.memref_squeeze %dma_start3A_300 : memref<1x100x128xf32, #tpu.memory_space<vmem>> -> memref<100x128xf32, #tpu.memory_space<vmem>>
        %dma_start3A_302 = arith.constant 0 : i32
        %dma_start3A_303 = arith.constant 0 : i32
        %dma_start3A_304 = tpu.memref_slice %arg2[%add3A_288, %dma_start3A_302, %dma_start3A_303] : memref<1408x100x128xf32, #tpu.memory_space<hbm>> -> memref<1x100x128xf32, #tpu.memory_space<hbm>>
        %dma_start3A_305 = tpu.memref_squeeze %dma_start3A_304 : memref<1x100x128xf32, #tpu.memory_space<hbm>> -> memref<100x128xf32, #tpu.memory_space<hbm>>
        tpu.enqueue_dma source(%dma_start3A_305 : memref<100x128xf32, #tpu.memory_space<hbm>>) target(%dma_start3A_301 : memref<100x128xf32, #tpu.memory_space<vmem>>) target_semaphore(%arg11 : memref<!tpu.dma_semaphore, #tpu.memory_space<semaphore_mem>>)
        %dma_start3A_306 = arith.constant 1 : i32
        %dma_start3A_307 = arith.constant 0 : i32
        %dma_start3A_308 = tpu.memref_slice %arg9[%dma_start3A_306, %dma_start3A_307] : memref<2x120xf32, #tpu.memory_space<vmem>> -> memref<1x120xf32, #tpu.memory_space<vmem>>
        %dma_start3A_309 = tpu.memref_squeeze %dma_start3A_308 : memref<1x120xf32, #tpu.memory_space<vmem>> -> memref<120xf32, #tpu.memory_space<vmem>>
        %dma_start3A_310 = arith.constant 0 : i32
        %dma_start3A_311 = tpu.memref_slice %arg3[%add3A_288, %dma_start3A_310] : memref<1408x120xf32, #tpu.memory_space<hbm>> -> memref<1x120xf32, #tpu.memory_space<hbm>>
        %dma_start3A_312 = tpu.memref_squeeze %dma_start3A_311 : memref<1x120xf32, #tpu.memory_space<hbm>> -> memref<120xf32, #tpu.memory_space<hbm>>
        %dma_start3A_313 = arith.constant 0 : i32
        %dma_start3A_314 = tpu.memref_slice %arg9[%dma_start3A_306, %dma_start3A_313] : memref<2x120xf32, #tpu.memory_space<vmem>> -> memref<1x120xf32, #tpu.memory_space<vmem>>
        %dma_start3A_315 = tpu.memref_squeeze %dma_start3A_314 : memref<1x120xf32, #tpu.memory_space<vmem>> -> memref<120xf32, #tpu.memory_space<vmem>>
        %dma_start3A_316 = arith.constant 0 : i32
        %dma_start3A_317 = tpu.memref_slice %arg3[%add3A_288, %dma_start3A_316] : memref<1408x120xf32, #tpu.memory_space<hbm>> -> memref<1x120xf32, #tpu.memory_space<hbm>>
        %dma_start3A_318 = tpu.memref_squeeze %dma_start3A_317 : memref<1x120xf32, #tpu.memory_space<hbm>> -> memref<120xf32, #tpu.memory_space<hbm>>
        tpu.enqueue_dma source(%dma_start3A_318 : memref<120xf32, #tpu.memory_space<hbm>>) target(%dma_start3A_315 : memref<120xf32, #tpu.memory_space<vmem>>) target_semaphore(%arg11 : memref<!tpu.dma_semaphore, #tpu.memory_space<semaphore_mem>>)
      } else {
      }
    }
    %scan3A_109 = arith.constant 22 : i32
    %add3A_110 = arith.constant 44 : i32
    %add3A_111 = arith.addi %mul3A_2, %add3A_110 : i32
    %sub3A = arith.constant 2 : i32
    %sub3A_112 = arith.subi %add3A_111, %sub3A : i32
    %dma_wait3A = arith.constant 0 : i32
    %dma_wait3A_113 = arith.constant 0 : i32
    %dma_wait3A_114 = arith.constant 0 : i32
    %dma_wait3A_115 = tpu.memref_slice %arg8[%dma_wait3A, %dma_wait3A_113, %dma_wait3A_114] : memref<2x100x128xf32, #tpu.memory_space<vmem>> -> memref<1x100x128xf32, #tpu.memory_space<vmem>>
    %dma_wait3A_116 = tpu.memref_squeeze %dma_wait3A_115 : memref<1x100x128xf32, #tpu.memory_space<vmem>> -> memref<100x128xf32, #tpu.memory_space<vmem>>
    %dma_wait3A_117 = arith.constant 0 : i32
    %dma_wait3A_118 = arith.constant 0 : i32
    %dma_wait3A_119 = tpu.memref_slice %arg5[%sub3A_112, %dma_wait3A_117, %dma_wait3A_118] : memref<1408x100x128xf32, #tpu.memory_space<hbm>> -> memref<1x100x128xf32, #tpu.memory_space<hbm>>
    %dma_wait3A_120 = tpu.memref_squeeze %dma_wait3A_119 : memref<1x100x128xf32, #tpu.memory_space<hbm>> -> memref<100x128xf32, #tpu.memory_space<hbm>>
    %dma_wait3A_121 = arith.constant 0 : i32
    %dma_wait3A_122 = arith.constant 0 : i32
    %dma_wait3A_123 = tpu.memref_slice %arg5[%sub3A_112, %dma_wait3A_121, %dma_wait3A_122] : memref<1408x100x128xf32, #tpu.memory_space<hbm>> -> memref<1x100x128xf32, #tpu.memory_space<hbm>>
    %dma_wait3A_124 = tpu.memref_squeeze %dma_wait3A_123 : memref<1x100x128xf32, #tpu.memory_space<hbm>> -> memref<100x128xf32, #tpu.memory_space<hbm>>
    %dma_wait3A_125 = arith.constant 0 : i32
    %dma_wait3A_126 = arith.constant 0 : i32
    %dma_wait3A_127 = tpu.memref_slice %arg8[%dma_wait3A, %dma_wait3A_125, %dma_wait3A_126] : memref<2x100x128xf32, #tpu.memory_space<vmem>> -> memref<1x100x128xf32, #tpu.memory_space<vmem>>
    %dma_wait3A_128 = tpu.memref_squeeze %dma_wait3A_127 : memref<1x100x128xf32, #tpu.memory_space<vmem>> -> memref<100x128xf32, #tpu.memory_space<vmem>>
    tpu.wait_dma2 semaphore(%arg12 : memref<!tpu.dma_semaphore, #tpu.memory_space<semaphore_mem>>) src(%dma_wait3A_128 : memref<100x128xf32, #tpu.memory_space<vmem>>) dst(%dma_wait3A_124 : memref<100x128xf32, #tpu.memory_space<hbm>>)
    %add3A_129 = arith.constant 44 : i32
    %add3A_130 = arith.addi %mul3A_2, %add3A_129 : i32
    %sub3A_131 = arith.constant 1 : i32
    %sub3A_132 = arith.subi %add3A_130, %sub3A_131 : i32
    %dma_wait3A_133 = arith.constant 1 : i32
    %dma_wait3A_134 = arith.constant 0 : i32
    %dma_wait3A_135 = arith.constant 0 : i32
    %dma_wait3A_136 = tpu.memref_slice %arg8[%dma_wait3A_133, %dma_wait3A_134, %dma_wait3A_135] : memref<2x100x128xf32, #tpu.memory_space<vmem>> -> memref<1x100x128xf32, #tpu.memory_space<vmem>>
    %dma_wait3A_137 = tpu.memref_squeeze %dma_wait3A_136 : memref<1x100x128xf32, #tpu.memory_space<vmem>> -> memref<100x128xf32, #tpu.memory_space<vmem>>
    %dma_wait3A_138 = arith.constant 0 : i32
    %dma_wait3A_139 = arith.constant 0 : i32
    %dma_wait3A_140 = tpu.memref_slice %arg5[%sub3A_132, %dma_wait3A_138, %dma_wait3A_139] : memref<1408x100x128xf32, #tpu.memory_space<hbm>> -> memref<1x100x128xf32, #tpu.memory_space<hbm>>
    %dma_wait3A_141 = tpu.memref_squeeze %dma_wait3A_140 : memref<1x100x128xf32, #tpu.memory_space<hbm>> -> memref<100x128xf32, #tpu.memory_space<hbm>>
    %dma_wait3A_142 = arith.constant 0 : i32
    %dma_wait3A_143 = arith.constant 0 : i32
    %dma_wait3A_144 = tpu.memref_slice %arg5[%sub3A_132, %dma_wait3A_142, %dma_wait3A_143] : memref<1408x100x128xf32, #tpu.memory_space<hbm>> -> memref<1x100x128xf32, #tpu.memory_space<hbm>>
    %dma_wait3A_145 = tpu.memref_squeeze %dma_wait3A_144 : memref<1x100x128xf32, #tpu.memory_space<hbm>> -> memref<100x128xf32, #tpu.memory_space<hbm>>
    %dma_wait3A_146 = arith.constant 0 : i32
    %dma_wait3A_147 = arith.constant 0 : i32
    %dma_wait3A_148 = tpu.memref_slice %arg8[%dma_wait3A_133, %dma_wait3A_146, %dma_wait3A_147] : memref<2x100x128xf32, #tpu.memory_space<vmem>> -> memref<1x100x128xf32, #tpu.memory_space<vmem>>
    %dma_wait3A_149 = tpu.memref_squeeze %dma_wait3A_148 : memref<1x100x128xf32, #tpu.memory_space<vmem>> -> memref<100x128xf32, #tpu.memory_space<vmem>>
    tpu.wait_dma2 semaphore(%arg13 : memref<!tpu.dma_semaphore, #tpu.memory_space<semaphore_mem>>) src(%dma_wait3A_149 : memref<100x128xf32, #tpu.memory_space<vmem>>) dst(%dma_wait3A_145 : memref<100x128xf32, #tpu.memory_space<hbm>>)
    return
  }
}

module attributes {stable_mosaic.version = 14 : i64} {
  func.func @_tc_body(%arg0: i32, %arg1: memref<64x200x128xf32, #tpu.memory_space<vmem>>, %arg2: memref<64x200xf32, #tpu.memory_space<vmem>>, %arg3: memref<200x128xf32, #tpu.memory_space<vmem>>, %arg4: memref<200x128xf32, #tpu.memory_space<vmem>>, %arg5: memref<64x200x128xf32, #tpu.memory_space<vmem>>) attributes {dimension_semantics = [#tpu.dimension_semantics<arbitrary>], iteration_bounds = array<i64: 53>, scalar_prefetch = 0 : i64, scratch_operands = 0 : i64, tpu.core_type = #tpu.core_type<tc>, window_params = [{transform_indices = @transform_0, window_bounds = array<i64: 64, 200, 128>}, {transform_indices = @transform_1, window_bounds = array<i64: 64, 200>}, {pipeline_mode = #tpu.pipeline_mode<synchronous>, transform_indices = @transform_2, window_bounds = array<i64: 200, 128>}, {pipeline_mode = #tpu.pipeline_mode<synchronous>, transform_indices = @transform_3, window_bounds = array<i64: 200, 128>}, {transform_indices = @transform_4, window_bounds = array<i64: 64, 200, 128>}]} {
    %get3A = arith.constant 0 : index
    %get3A_0 = arith.constant 0 : index
    %get3A_1 = arith.constant 0 : index
    %get3A_2 = vector.load %arg1[%get3A, %get3A_0, %get3A_1] : memref<64x200x128xf32, #tpu.memory_space<vmem>>, vector<64x200x128xf32>
    %get3A_3 = arith.constant 0 : index
    %get3A_4 = arith.constant 0 : index
    %get3A_5 = vector.load %arg2[%get3A_3, %get3A_4] : memref<64x200xf32, #tpu.memory_space<vmem>>, vector<64x200xf32>
    %get3A_6 = arith.constant 0 : index
    %get3A_7 = arith.constant 0 : index
    %get3A_8 = vector.load %arg3[%get3A_6, %get3A_7] : memref<200x128xf32, #tpu.memory_space<vmem>>, vector<200x128xf32>
    %get3A_9 = arith.constant 0 : index
    %get3A_10 = arith.constant 0 : index
    %get3A_11 = vector.load %arg4[%get3A_9, %get3A_10] : memref<200x128xf32, #tpu.memory_space<vmem>>, vector<200x128xf32>
    %broadcast_in_dim3A = vector.shape_cast %get3A_5 : vector<64x200xf32> to vector<64x200x1xf32>
    %broadcast_in_dim3A_12 = vector.broadcast %broadcast_in_dim3A : vector<64x200x1xf32> to vector<64x200x128xf32>
    %mul3A = arith.constant 11.3137083 : f32
    %mul3A_13 = vector.broadcast %mul3A : f32 to vector<64x200x128xf32>
    %mul3A_14 = arith.mulf %get3A_2, %mul3A_13 : vector<64x200x128xf32>
    %broadcast_in_dim3A_15 = vector.shape_cast %get3A_8 : vector<200x128xf32> to vector<1x200x128xf32>
    %broadcast_in_dim3A_16 = vector.shape_cast %get3A_11 : vector<200x128xf32> to vector<1x200x128xf32>
    %mul3A_17 = vector.broadcast %broadcast_in_dim3A_16 : vector<1x200x128xf32> to vector<64x200x128xf32>
    %mul3A_18 = arith.mulf %broadcast_in_dim3A_12, %mul3A_17 : vector<64x200x128xf32>
    %sub3A = vector.broadcast %broadcast_in_dim3A_15 : vector<1x200x128xf32> to vector<64x200x128xf32>
    %sub3A_19 = arith.subf %sub3A, %mul3A_18 : vector<64x200x128xf32>
    %add3A = arith.addf %mul3A_14, %sub3A_19 : vector<64x200x128xf32>
    %swap3A = arith.constant 0 : index
    %swap3A_20 = arith.constant 0 : index
    %swap3A_21 = arith.constant 0 : index
    %swap3A_22 = vector.load %arg5[%swap3A, %swap3A_20, %swap3A_21] : memref<64x200x128xf32, #tpu.memory_space<vmem>>, vector<64x200x128xf32>
    tpu.vector_store %arg5[%swap3A, %swap3A_20, %swap3A_21], %add3A {strides = array<i32>} : memref<64x200x128xf32, #tpu.memory_space<vmem>>, vector<64x200x128xf32>,
    return
  }
  func.func @transform_0(%arg0: i32) -> (i32, i32, i32) {
    %c0_i32 = arith.constant 0 : i32
    %c0_i32_0 = arith.constant 0 : i32
    %c0_i32_1 = arith.constant 0 : i32
    return %arg0, %c0_i32, %c0_i32_0 : i32, i32, i32
  }
  func.func @transform_1(%arg0: i32) -> (i32, i32) {
    %c0_i32 = arith.constant 0 : i32
    %c0_i32_0 = arith.constant 0 : i32
    return %arg0, %c0_i32 : i32, i32
  }
  func.func @transform_2(%arg0: i32) -> (i32, i32) {
    %c0_i32 = arith.constant 0 : i32
    %c0_i32_0 = arith.constant 0 : i32
    %c0_i32_1 = arith.constant 0 : i32
    return %c0_i32, %c0_i32_0 : i32, i32
  }
  func.func @transform_3(%arg0: i32) -> (i32, i32) {
    %c0_i32 = arith.constant 0 : i32
    %c0_i32_0 = arith.constant 0 : i32
    %c0_i32_1 = arith.constant 0 : i32
    return %c0_i32, %c0_i32_0 : i32, i32
  }
  func.func @transform_4(%arg0: i32) -> (i32, i32, i32) {
    %c0_i32 = arith.constant 0 : i32
    %c0_i32_0 = arith.constant 0 : i32
    %c0_i32_1 = arith.constant 0 : i32
    return %arg0, %c0_i32, %c0_i32_0 : i32, i32, i32
  }
}

</mosaic_0001>

<sc_bundles>
// kernel: kernel.4.cloned.1.call-start
scs
__scs_entry_jumppad:
0x0: {  	(pc) =	sbr.rel $0x88, $3  }
0x1: {  	(tag) =	ssettag $0x0;
	lr =	simm.s32 $0x1  }
0x2: {  	[smem:$0x3F9E] =	sst lr;
	_ =	strace $0xD0000000  }
0x3: {  	_ = 	snop  }
0x4: {  	_ = 	snop  }
0x5: {  	_ = 	snop  }
0x6: {  	_ = 	snop  }
0x7: {  	_ = 	snop  }
__scs_overlays_trampoline_lowered:
0x8: {  	[smem:$0x3FAD] =	sst s0  }
0x9: {  	[smem:$0x3FAE] =	sst s1  }
0xa: {  	[smem:$0x3FAF] =	sst s2  }
0xb: {  	[smem:$0x3FB0] =	sst s3  }
0xc: {  	[smem:$0x3FB1] =	sst s4  }
0xd: {  	[smem:$0x3FB2] =	sst s5  }
0xe: {  	[smem:$0x3FB3] =	sst s6  }
0xf: {  	[smem:$0x3FB4] =	sst s7  }
0x10: {  	[smem:$0x3FB5] =	sst s8  }
0x11: {  	[smem:$0x3FB6] =	sst s9;
	s0 =	simm.s32 @!p0 $0x0  }
0x12: {  	s1 =	sld [smem:$0x3F9C];
	s0 =	simm.s32 @p0 $0x1  }
0x13: {  	[smem:$0x3FB7] =	sst s0;
	s0 =	simm.s32 @!p1 $0x0  }
0x14: {  	s2 =	sld [smem:$0x3F9B];
	s0 =	simm.s32 @p1 $0x1  }
0x15: {  	[smem:$0x3FB8] =	sst s0;
	s0 =	simm.s32 @!p2 $0x0  }
0x16: {  	s3 =	sld [smem:$0x3FDB];
	s0 =	simm.s32 @p2 $0x1  }
0x17: {  	s4 =	simm.s32 $0x1BF5;
	[smem:$0x3FBA] =	sst s0  }
0x18: {  	s0 =	sld [smem:$0x3F9D];
	_ =	swait.ge [sflag:s4], $0x0  }
0x19: {  	s7 =	sld [smem:$0x3F9E]  }
0x1a: {  	s8 =	sadd.s32 $0xFFFFE003, lr  }
0x1b: {  	s9 =	sadd.s32 $0xFFFFFEF7, lr;
	s5 =	simm.s32 $0xFFFFFFFF;
	p2 =	slt.u32 s8, $0xFFFFF086  }
0x1c: {  	p1 =	slt.u32 s9, $0xF7A;
	s5 =	simm.s32 @!p2 $0x0  }
0x1d: {  	s5 =	simm.s32 @p1 $0x1;
	p0 =	seq.s32 s7, s2  }
0x1e: {  	s7 =	smul.u32 @!p0 $0xF7A, s2;
	p2 =	seq.s32 @!p0 s5, $0x0  }
0x1f: {  	s9 =	smul.u32 $0xF7A, s1;
	s8 =	simm.s32 @!p0 $0x1BF5;
	p2 =	por !p2, p0  }
0x20: {  	[sflag:s8] =	ssyncset.s32 @!p0 $0xFFFFF086;
	s6 =	sadd.s32 @!p0 s3, s7;
	s7 =	simm.s32 @!p0 $0x108  }
0x21: {  	s3 =	sadd.s32 s3, s9;
	s6 =	sadd.s32 @!p0 $0x88, s6;
	s7 =	simm.s32 @p2 $0x1082  }
0x22: {  	[simem:s7], [sflag:s8] =	dma.local @!p0 [hbm:s6], $0xF7A  }
0x23: {  	s9 =	sor.u32 $0xD0000000, s2;
	s6 =	simm.s32 $0x108;
	_ =	swait.ge @!p0 [sflag:s8], $0x0  }
0x24: {  	s3 =	sadd.s32 $0x88, s3;
	s6 =	simm.s32 @!p1 $0x1082;
	[sflag:s4] =	ssyncset.s32 $0xFFFFF086  }
0x25: {  	[simem:s6], [sflag:s4] =	dma.local [hbm:s3], $0xF7A  }
0x26: {  	[smem:$0x3F9E] =	sst s1;
	(tag) =	ssettag s2;
	_ =	strace s9  }
0x27: {  	s1 =	sld [smem:$0x3FAE]  }
0x28: {  	s2 =	sld [smem:$0x3FAF]  }
0x29: {  	s4 =	sld [smem:$0x3FB1]  }
0x2a: {  	p0 =	seq.s32 s5, $0x0;
	s5 =	sld [smem:$0x3FB2]  }
0x2b: {  	s6 =	sld [smem:$0x3FB3]  }
0x2c: {  	s7 =	sld [smem:$0x3FB4]  }
0x2d: {  	s3 =	simm.s32 $0x108;
	s8 =	sld [smem:$0x3FB5]  }
0x2e: {  	s3 =	simm.s32 @!p0 $0x1082;
	s9 =	sld [smem:$0x3FB6]  }
0x2f: {  	lr =	sadd.s32 s0, s3;
	s0 =	sld [smem:$0x3FAD]  }
0x30: {  	s3 =	sld [smem:$0x3FB0]  }
0x31: {  	[smem:$0x3FB9] =	sst s10  }
0x32: {  	s10 =	sld [smem:$0x3FB7];
	_ =	sdelay $0x3  }
0x33: {  	p0 =	seq.s32 s10, $0x1;
	s10 =	sld [smem:$0x3FB9];
	_ =	sdelay $0x3  }
0x34: {  	[smem:$0x3FB9] =	sst s10  }
0x35: {  	s10 =	sld [smem:$0x3FB8];
	_ =	sdelay $0x3  }
0x36: {  	p1 =	seq.s32 s10, $0x1;
	s10 =	sld [smem:$0x3FB9];
	_ =	sdelay $0x3  }
0x37: {  	[smem:$0x3FB9] =	sst s10  }
0x38: {  	s10 =	sld [smem:$0x3FBA]  }
0x39: {  	_ = 	snop;
	(pc) =	sbr.ind lr, $3  }
0x3a: {  	_ = 	snop  }
0x3b: {  	_ = 	snop  }
0x3c: {  	p2 =	seq.s32 s10, $0x1;
	s10 =	sld [smem:$0x3FB9]  }
0x3d: {  	_ =	shalt  }
0x3e: {  	_ =	shalt  }
0x3f: {  	_ =	shalt  }
0x40: {  	_ =	shalt  }
0x41: {  	_ =	shalt  }
0x42: {  	_ =	shalt  }
0x43: {  	_ =	shalt  }
0x44: {  	_ =	shalt  }
0x45: {  	_ =	shalt  }
0x46: {  	_ =	shalt  }
0x47: {  	_ =	shalt  }
0x48: {  	_ =	shalt  }
0x49: {  	_ =	shalt  }
0x4a: {  	_ =	shalt  }
0x4b: {  	_ =	shalt  }
0x4c: {  	_ =	shalt  }
0x4d: {  	_ =	shalt  }
0x4e: {  	_ =	shalt  }
0x4f: {  	_ =	shalt  }
0x50: {  	_ =	shalt  }
0x51: {  	_ =	shalt  }
0x52: {  	_ =	shalt  }
0x53: {  	_ =	shalt  }
0x54: {  	_ =	shalt  }
0x55: {  	_ =	shalt  }
0x56: {  	_ =	shalt  }
0x57: {  	_ =	shalt  }
0x58: {  	_ =	shalt  }
0x59: {  	_ =	shalt  }
0x5a: {  	_ =	shalt  }
0x5b: {  	_ =	shalt  }
0x5c: {  	_ =	shalt  }
0x5d: {  	_ =	shalt  }
0x5e: {  	_ =	shalt  }
0x5f: {  	_ =	shalt  }
0x60: {  	_ =	shalt  }
0x61: {  	_ =	shalt  }
0x62: {  	_ =	shalt  }
0x63: {  	_ =	shalt  }
0x64: {  	_ =	shalt  }
0x65: {  	_ =	shalt  }
0x66: {  	_ =	shalt  }
0x67: {  	_ =	shalt  }
0x68: {  	_ =	shalt  }
0x69: {  	_ =	shalt  }
0x6a: {  	_ =	shalt  }
0x6b: {  	_ =	shalt  }
0x6c: {  	_ =	shalt  }
0x6d: {  	_ =	shalt  }
0x6e: {  	_ =	shalt  }
0x6f: {  	_ =	shalt  }
0x70: {  	_ =	shalt  }
0x71: {  	_ =	shalt  }
0x72: {  	_ =	shalt  }
0x73: {  	_ =	shalt  }
0x74: {  	_ =	shalt  }
0x75: {  	_ =	shalt  }
0x76: {  	_ =	shalt  }
0x77: {  	_ =	shalt  }
0x78: {  	_ =	shalt  }
0x79: {  	_ =	shalt  }
0x7a: {  	_ =	shalt  }
0x7b: {  	_ =	shalt  }
0x7c: {  	_ =	shalt  }
0x7d: {  	_ =	shalt  }
0x7e: {  	_ =	shalt  }
0x7f: {  	_ =	shalt  }
0x80: {  	_ =	shalt  }
0x81: {  	_ =	shalt  }
0x82: {  	_ =	shalt  }
0x83: {  	_ =	shalt  }
0x84: {  	_ =	shalt  }
0x85: {  	_ =	shalt  }
0x86: {  	_ =	shalt  }
0x87: {  	_ =	shalt  }
.Lfunc_end0:
.L_simem_size_0:
called_computation_lowered:
.L_overlay_start_0:
0x88: {  	s2 =	sld [smem:$0x3FD9]  }
0x89: {  	s3 =	sld [smem:$0x3FFE];
	_ =	sdelay $0x1  }
0x8a: {  	s1 =	srdreg.scid  }
0x8b: {  	s0 =	sand.u32 $0x1, s1  }
0x8c: {  	s16 =	sshll.u32 s0, $0xA;
	s2 =	sadd.s32 s3, s2  }
0x8d: {  	s2 =	sadd.s32 s2, s16  }
0x8e: {  	[smem:$0x3FC5] =	sst s2  }
0x8f: {  	_ = 	snop  }
0x90: {  	(tm) =	ssettm $0x1  }
0x91: {  	s17 =	sld [smem:$0x3FFB];
	_ =	sdelay $0x3  }
0x92: {  	_ =	strace s17  }
0x93: {  	s2 =	sld [smem:$0x3FFC];
	_ =	sdelay $0x3  }
0x94: {  	_ =	strace s2  }
0x95: {  	s2 =	sld [smem:$0x3FFD];
	_ =	sdelay $0x3  }
0x96: {  	_ =	strace s2  }
0x97: {  	_ =	strace $0x8FFFFFFF  }
0x98: {  	s18 =	sld [smem:$0x3FDB];
	_ =	sdelay $0x1  }
0x99: {  	s19 =	simm.s32 $_scs_section_size  }
0x9a: {  	s4 =	simm.s32 $_size__tile_overlayer_lowered;
	s5 =	simm.s32 $_tile_overlayer_lowered  }
0x9b: {  	s22 =	simm.s32 $0x1BFF;
	s21 =	sshll.u32 s5, $0x1;
	s2 =	sadd.s32 s19, s18  }
0x9c: {  	s6 =	simm.s32 $0x0;
	s20 =	sshll.u32 s4, $0x1;
	s4 =	sadd.s32 s21, s2  }
0x9d: {  	[timem:s6], [sflag:s22] =	dma.local [hbm:s4], s20  }
0x9e: {  	_ =	swait.ge [sflag:s22], s20  }
0x9f: {  	s3 =	ssub.s32 $0x0, s20;
	[sflag:s22] =	ssyncset.done $0x0  }
0xa0: {  	[sflag:s22] =	ssyncadd.s32 s3;
	_ =	sdelay $0x1  }
0xa1: {  	s23 =	simm.s32 $0x1B8B  }
0xa2: {  	_ =	swait.ge [sflag:s23], $0x1  }
0xa3: {  	[sflag:s23] =	ssyncset.done $0x0  }
0xa4: {  	s25 =	simm.s32 $0x1B8E;
	s24 =	sld [smem:$0x3FFE];
	[sflag:s23] =	ssyncadd.s32 $0xFFFFFFFF  }
0xa5: {  	s26 =	simm.s32 $execute0_lowered;
	[smem:$0x3FD2] =	sst s25  }
0xa6: {  	s4 =	sshll.u32 s26, $0x1;
	_ =	strace $0x80000046;
	[dreg:$0x1] =	wrdreg $0xFFFFFFFF  }
0xa7: {  	s28 =	simm.s32 $_size_execute0_lowered;
	s2 =	sadd.s32 s2, s4;
	[dreg:$0x0] =	wrdreg $0x0  }
0xa8: {  	s4 =	sshll.u32 s28, $0x1;
	[dreg:$0x2] =	wrdreg s2  }
0xa9: {  	[dreg:$0x3] =	wrdreg s4  }
0xaa: {  	[dreg:$0x4] =	wrdreg $0xC0  }
0xab: {  	_ =	task [dreg:s6], $0x5FFFF  }
0xac: {  	[dreg:$0x1] =	wrdreg $0xFFFFFFFF  }
0xad: {  	[dreg:$0x0] =	wrdreg $0x60  }
0xae: {  	[dreg:$0x2] =	wrdreg s24  }
0xaf: {  	[dreg:$0x3] =	wrdreg $0x9  }
0xb0: {  	_ =	task.clear_ibuf [dreg:s6], $0x4FFFF;
	_ =	strace $0x90000046  }
0xb1: {  	s29 =	simm.s32 $0x9;
	_ =	strace $0x80000048  }
0xb2: {  	_ =	swait.ge [sflag:s29], $0x1  }
0xb3: {  	[sflag:s29] =	ssyncadd.s32 $0xFFFFFFFF  }
0xb4: {  	_ =	strace $0x90000048  }
0xb5: {  	_ =	sfence  }
0xb6: {  	s30 =	sld [smem:$0x0];
	_ =	sdelay $0x2  }
0xb7: {  	s31 =	sshll.u32 s1, $0xD;
	s1 =	sshrl.u32 s1, $0x2  }
0xb8: {  	s3 =	sand.u32 $0x4000, s31;
	s1 =	sadd.s32 s1, s30  }
0xb9: {  	s0 =	sor.u32 s3, s0;
	s1 =	sshll.u32 s1, $0x11  }
0xba: {  	s0 =	sor.u32 s1, s0  }
0xbb: {  	s0 =	sadd.s32 $0x8F2B, s0  }
0xbc: {  	[sflag:s0] =	ssyncadd.remote.s32 $0x1  }
0xbd: {  	_ =	sfence.sel $0xFFFF  }
0xbe: {  	[dreg:$0x0] =	wrdreg $0xFFFFFFFF;
	(pc) =	sbr.abs _section_cstart, $3  }
0xbf: {  	[dreg:$0x1] =	wrdreg $0xFFFFFFFF  }
0xc0: {  	_ =	task.clear_ibuf [dreg:s6], $0x2FFFF;
	_ =	strace $0x9FFFFFFF  }
0xc1: {  	(tm) =	ssettm $0x7FFFFFFF  }
tec
execute0_lowered:
.L_overlay_start_1:
0x0: {  	(tag) =	ssettag $0x1  }
0x1: {  	s0 =	rddreg [dreg:$0x0]  }
0x2: {  	s2 =	simm.s32 $0x0;
	s1 =	srdreg.scid;
	s3 =	stileid.u32  }
0x3: {  	s13 =	simm.s32 $0x5;
	s15 =	simm.s32 $0x13800;
	s16 =	simm.s32 $0x9C00  }
0x4: {  	s17 =	simm.s32 $0x13880;
	s18 =	simm.s32 $0x1;
	s19 =	simm.s32 $0xD000  }
0x5: {  	s20 =	simm.s32 $0x2;
	s21 =	simm.s32 $0x10400;
	s22 =	simm.s32 $0x3  }
0x6: {  	s23 =	simm.s32 $0x4;
	s24 =	simm.s32 $0x0;
	[smem:$0x7FF] =	sst s2  }
0x7: {  	s1 =	sand.u32 $0x1, s1;
	s4 =	sshll.u32 s3, $0x1;
	s3 =	sadd.s32 $0x23000, s0  }
0x8: {  	s7 =	sadd.s32 $0x265600, s0;
	_ =	strace $0x80000047;
	s8 =	sor.u32 s1, s4  }
0x9: {  	s6 =	sadd.s32 $0x25F000, s0;
	s4 =	sadd.s32 $0x25FE00, s0;
	s5 =	smul.u32 $0x2C, s8  }
0xa: {  	s9 =	ssub.s32 $0x2, s1;
	s1 =	sshll.u32 s1, $0x9;
	s11 =	smul.u32 $0x1600, s8  }
0xb: {  	s10 =	sshrl.u32 s9, $0x1;
	s8 =	smul.u32 $0x11E00, s8;
	s28 =	sor.u32 $0x1, s5  }
.Ltmp0:
0xc: {  	s29 =	sand.u32 $0x3FC00, s11;
	s30 =	sshll.u32 s28, $0x7;
	(pc) =	sbr.rel .LBB2_1-.Ltmp0, $4  }
0xd: {  	s26 =	ssub.s32 s9, s10;
	s1 =	sor.u32 s1, s29;
	s11 =	sand.u32 $0x280, s30  }
0xe: {  	s12 =	smul.u32 $0x680, s28;
	s1 =	sshrl.u32 s1, $0x3;
	s10 =	sor.u32 s29, s11  }
0xf: {  	s8 =	sadd.s32 s3, s8;
	s9 =	sadd.s32 s4, s1;
	s31 =	sshrl.u32 s10, $0x3  }
0x10: {  	s10 =	sadd.s32 s3, s12;
	s12 =	smax.u32 s26, $0x1;
	s11 =	sadd.s32 s4, s31  }
.LBB2_8:
0x11: {  	s24 =	sadd.s32 $0x1, s24  }
0x12: {  	_ =	swait.ge [sflag:s22], $0x3200;
	p0 =	sne.s32 s24, s12  }
.Ltmp1:
0x13: {  	[sflag:s22] =	ssyncset.done $0x0;
	(pc) =	sbr.rel @!p0 .LBB2_9-.Ltmp1, $4  }
0x14: {  	[sflag:s22] =	ssyncadd.s32 $0xFFFFCE00  }
0x15: {  	_ =	swait.ge [sflag:s23], $0x3200  }
0x16: {  	[sflag:s23] =	ssyncset.done $0x0  }
0x17: {  	[sflag:s23] =	ssyncadd.s32 $0xFFFFCE00  }
.LBB2_1:
0x18: {  	[tilespmem:s2], [sflag:$0x5] =	stream.linear.gather [hbm4b:s6+s2], $0x6480, $0x38;
	[tilespmem:$0x13900] =	vst v63  }
0x19: {  	_ =	swait.ge [sflag:s13], $0x6480  }
0x1a: {  	[sflag:s13] =	ssyncset.done $0x0  }
0x1b: {  	[sflag:s13] =	ssyncadd.s32 $0xFFFF9B80  }
0x1c: {  	v0 =	vld [tilespmem:$0x6400]  }
0x1d: {  	v1 =	vld [tilespmem:$0x6410]  }
0x1e: {  	v2 =	vld [tilespmem:$0x6420]  }
0x1f: {  	v3 =	vld [tilespmem:$0x6430]  }
0x20: {  	v4 =	vld [tilespmem:$0x6440]  }
0x21: {  	v5 =	vld [tilespmem:$0x6450]  }
0x22: {  	s0 =	simm.s32 $0x6800;
	v6 =	vld [tilespmem:$0x6460]  }
0x23: {  	v7 =	vld [tilespmem:$0x6470];
	[tilespmem:s0], [sflag:$0x1] =	stream.linear.gather [hbm4b:s8+s2], $0x3200, $0x38  }
0x24: {  	_ = 	snop  }
0x25: {  	[tilespmem:s15], [sflag:$0x1] =	stream.linear.gather [hbm4b:s9+s2], $0x80, $0x38;
	[tilespmem:$0x13900] =	vst v63  }
0x26: {  	_ = 	snop  }
0x27: {  	[tilespmem:s16], [sflag:$0x2] =	stream.linear.gather [hbm4b:s10+s2], $0x3200, $0x38;
	[tilespmem:$0x13900] =	vst v63  }
0x28: {  	s25 =	simm.s32 $0x0  }
0x29: {  	[tilespmem:s17], [sflag:$0x2] =	stream.linear.gather [hbm4b:s11+s2], $0x80, $0x38;
	[tilespmem:$0x13900] =	vst v63  }
.LBB2_2:
0x2a: {  	_ =	swait.ge [sflag:s18], $0x3200  }
0x2b: {  	[sflag:s18] =	ssyncset.done $0x0  }
0x2c: {  	[sflag:s18] =	ssyncadd.s32 $0xFFFFCE00  }
0x2d: {  	_ =	swait.ge [sflag:s18], $0x80  }
0x2e: {  	p0 =	seq.s32 s25, $0x0;
	[sflag:s18] =	ssyncset.done $0x0  }
0x2f: {  	s0 =	simm.s32 @!p0 $0x3;
	[sflag:s18] =	ssyncadd.s32 $0xFFFFFF80  }
0x30: {  	_ =	swait.ge @!p0 [sflag:s0], $0x3200  }
0x31: {  	[sflag:s0] =	ssyncset.done @!p0 $0x0  }
0x32: {  	s14 =	simm.s32 $0x13800;
	[sflag:s0] =	ssyncadd.s32 @!p0 $0xFFFFCE00  }
0x33: {  	v8 =	vld [tilespmem:s14+$0x0];
	_ =	sdelay $0x4  }
0x34: {  	s28 =	simm.s32 $0x0;
	(v2sf) =	vpush v8, $0x0  }
0x35: {  	v10 =	vld [tilespmem:s28+$0x6870]  }
0x36: {  	v9 =	vld [tilespmem:s28+$0x6820]  }
0x37: {  	v12 =	vld [tilespmem:s28+$0x6850]  }
0x38: {  	v13 =	vld [tilespmem:s28+$0x6840]  }
0x39: {  	v14 =	vld [tilespmem:s28+$0x6810]  }
0x3a: {  	v15 =	vld [tilespmem:s28+$0x6800]  }
0x3b: {  	v16 =	vld [tilespmem:s28+$0x6830]  }
0x3c: {  	v11 =	vld [tilespmem:s28+$0x6860]  }
0x3d: {  	v18 =	vld [tilespmem:s28+$0x30];
	v9 =	vmul.f32 $1.131370830e+01, v9  }
0x3e: {  	v22 =	vld [tilespmem:s28+$0x50];
	v20 =	vmul.f32 $1.131370830e+01, v12;
	v21 =	vbroadcast v8, $0x0  }
0x3f: {  	v24 =	vld [tilespmem:s28+$0x60];
	v13 =	vmul.f32 $1.131370830e+01, v13;
	v23 =	vmul.f32 $1.131370830e+01, v15  }
0x40: {  	v26 =	vld [tilespmem:s28+$0x70];
	v25 =	vmul.f32 $1.131370830e+01, v16;
	v27 =	vmul.f32 $1.131370830e+01, v14  }
0x41: {  	v14 =	vld [tilespmem:s28+$0x40];
	v28 =	vmul.f32 $1.131370830e+01, v11;
	v10 =	vmul.f32 $1.131370830e+01, v10  }
0x42: {  	v29 =	vld [tilespmem:s28+$0x0];
	v12 =	vmul.f32 v21, v2;
	v15 =	vmul.f32 v21, v3  }
0x43: {  	v30 =	vld [tilespmem:s28+$0x10];
	v16 =	vmul.f32 v21, v1;
	v17 =	vmul.f32 v21, v6;
	s26 =	spop (v2sf)  }
0x44: {  	s30 =	simm.s32 $0x80;
	v19 =	vld [tilespmem:s28+$0x20];
	v31 =	vmul.f32 v21, v4;
	v32 =	vmul.f32 v21, v5;
	s0 =	ssub.f32 $1.000000000e+00, s26  }
0x45: {  	v35 =	vld [tilespmem:s30+$0x6820];
	v33 =	vmul.f32 v21, v0;
	v34 =	vmul.f32 v21, v7  }
0x46: {  	v36 =	vld [tilespmem:s30+$0x6840];
	v14 =	vmul.f32 s0, v14;
	v21 =	vmul.f32 s0, v26  }
0x47: {  	v8 =	vld [tilespmem:s30+$0x6870];
	v29 =	vmul.f32 s0, v29;
	v24 =	vmul.f32 s0, v24  }
0x48: {  	v26 =	vld [tilespmem:s30+$0x6850];
	v30 =	vmul.f32 s0, v30;
	v62 =	vmul.f32 s0, v22;
	v10 =	vadd.f32 v21, v10  }
0x49: {  	v11 =	vld [tilespmem:s30+$0x6860];
	v22 =	vmul.f32 s0, v19;
	v13 =	vadd.f32 v14, v13;
	v23 =	vadd.f32 v29, v23  }
0x4a: {  	v19 =	vld [tilespmem:s30+$0x6800];
	v21 =	vadd.f32 v24, v28;
	v24 =	vmul.f32 s0, v18;
	v63 =	vadd.f32 v10, v34  }
0x4b: {  	v14 =	vld [tilespmem:s30+$0x6810];
	v18 =	vmul.f32 $1.131370830e+01, v35;
	v29 =	vadd.f32 v62, v20;
	v33 =	vadd.f32 v23, v33  }
0x4c: {  	s1 =	simm.s32 $0x13801;
	s26 =	sshll.u32 s25, $0x1;
	v20 =	vld [tilespmem:s30+$0x6830];
	v23 =	vadd.f32 v24, v25;
	v24 =	vadd.f32 v13, v31;
	v13 =	vmul.f32 $1.131370830e+01, v36;
	[tilespmem:s28+$0xD070] =	vst v63  }
0x4d: {  	s31 =	simm.s32 $0x13801;
	s29 =	sadd.s32 s5, s26;
	s0 =	simm.s32 $0x400;
	v25 =	vadd.f32 v29, v32;
	v10 =	vmul.f32 $1.131370830e+01, v26;
	v26 =	vadd.f32 v30, v27;
	[tilespmem:s28+$0xD000] =	vst v33  }
.LBB2_3:
0x4e: {  	p1 =	sne.s32 s0, $0xC600  }
0x4f: {  	s1 =	sadd.s32 $0x1, s1;
	v22 =	vadd.f32 v22, v9;
	[tilespmem:s28+$0xD040] =	vst v24;
	v17 =	vadd.f32 v21, v17;
	v9 =	vmov v18;
	s14 =	smov.u32 s0;
	s0 =	sadd.s32 $0x200, s0  }
0x50: {  	v15 =	vadd.f32 v23, v15;
	v16 =	vadd.f32 v26, v16;
	[tilespmem:s28+$0xD050] =	vst v25  }
0x51: {  	v18 =	vmul.f32 $1.131370830e+01, v19;
	v12 =	vadd.f32 v22, v12;
	[tilespmem:s28+$0xD060] =	vst v17  }
0x52: {  	v23 =	vmul.f32 $1.131370830e+01, v20;
	[tilespmem:s28+$0xD010] =	vst v16  }
0x53: {  	[tilespmem:s28+$0xD020] =	vst v12  }
0x54: {  	[tilespmem:s28+$0xD030] =	vst v15;
	s28 =	smov.u32 s30  }
0x55: {  	v12 =	vld [tilespmem:s31+$0x0];
	s31 =	smov.u32 s1;
	_ =	sdelay $0x4  }
0x56: {  	v19 =	vbroadcast v12, $0x0;
	(v2sf) =	vpush v12, $0x0;
	_ =	sdelay $0x1  }
0x57: {  	v12 =	vmul.f32 v19, v2;
	_ =	sdelay $0x4  }
0x58: {  	v20 =	vld [tilespmem:s28+$0x30]  }
0x59: {  	v22 =	vld [tilespmem:s28+$0x20]  }
0x5a: {  	v21 =	vld [tilespmem:s28+$0x50]  }
0x5b: {  	v24 =	vld [tilespmem:s28+$0x10]  }
0x5c: {  	v25 =	vld [tilespmem:s28+$0x60]  }
0x5d: {  	v26 =	vld [tilespmem:s28+$0x70]  }
0x5e: {  	v27 =	vmul.f32 $1.131370830e+01, v14;
	v28 =	vmul.f32 $1.131370830e+01, v11;
	v14 =	vld [tilespmem:s28+$0x40]  }
0x5f: {  	v30 =	vmul.f32 $1.131370830e+01, v8;
	s30 =	sshra.s32 s14, $0x2;
	v15 =	vmul.f32 v19, v3;
	v29 =	vld [tilespmem:s28+$0x0]  }
0x60: {  	v16 =	vmul.f32 v19, v1;
	v17 =	vmul.f32 v19, v6;
	v8 =	vld [tilespmem:s30+$0x6870];
	s14 =	spop (v2sf)  }
0x61: {  	v31 =	vmul.f32 v19, v4;
	v32 =	vmul.f32 v19, v5;
	v11 =	vld [tilespmem:s30+$0x6860];
	s14 =	ssub.f32 $1.000000000e+00, s14  }
0x62: {  	v34 =	vmul.f32 v19, v0;
	v19 =	vmul.f32 v19, v7;
	v33 =	vld [tilespmem:s30+$0x6820]  }
0x63: {  	v35 =	vld [tilespmem:s30+$0x6850];
	v36 =	vmul.f32 s14, v14;
	v26 =	vmul.f32 s14, v26  }
0x64: {  	v25 =	vmul.f32 s14, v25;
	v37 =	vld [tilespmem:s30+$0x6840];
	v29 =	vmul.f32 s14, v29  }
0x65: {  	v38 =	vmul.f32 s14, v24;
	v14 =	vld [tilespmem:s30+$0x6810];
	v13 =	vadd.f32 v36, v13;
	v24 =	vadd.f32 v26, v30  }
.Ltmp2:
0x66: {  	v26 =	vadd.f32 v29, v18;
	v29 =	vmul.f32 s14, v21;
	v21 =	vadd.f32 v25, v28;
	(pc) =	sbr.rel @p1 .LBB2_3-.Ltmp2, $4  }
0x67: {  	v22 =	vmul.f32 s14, v22;
	v25 =	vmul.f32 s14, v20;
	v28 =	vadd.f32 v24, v19  }
0x68: {  	v18 =	vmul.f32 $1.131370830e+01, v33;
	v19 =	vld [tilespmem:s30+$0x6800];
	v26 =	vadd.f32 v26, v34;
	v29 =	vadd.f32 v29, v10  }
0x69: {  	v24 =	vadd.f32 v13, v31;
	v10 =	vmul.f32 $1.131370830e+01, v35;
	v23 =	vadd.f32 v25, v23;
	v20 =	vld [tilespmem:s30+$0x6830];
	[tilespmem:s28+$0xD070] =	vst v28  }
0x6a: {  	v13 =	vmul.f32 $1.131370830e+01, v37;
	[tilespmem:s28+$0xD000] =	vst v26;
	v26 =	vadd.f32 v38, v27;
	v25 =	vadd.f32 v29, v32  }
0x6b: {  	v9 =	vadd.f32 v22, v9;
	[tilespmem:s28+$0xD040] =	vst v24;
	v17 =	vadd.f32 v21, v17  }
0x6c: {  	v16 =	vadd.f32 v26, v16;
	[tilespmem:s28+$0xD050] =	vst v25  }
0x6d: {  	v9 =	vadd.f32 v9, v12;
	[tilespmem:s28+$0xD060] =	vst v17  }
0x6e: {  	v12 =	vadd.f32 v23, v15;
	[tilespmem:s28+$0xD010] =	vst v16  }
0x6f: {  	[tilespmem:s28+$0xD020] =	vst v9  }
0x70: {  	[tilespmem:s28+$0xD030] =	vst v12  }
0x71: {  	v9 =	vld [tilespmem:s31+$0x0];
	_ =	sdelay $0x4  }
0x72: {  	(v2sf) =	vpush v9, $0x0;
	_ =	sdelay $0xc  }
0x73: {  	v12 =	vld [tilespmem:s30+$0x70]  }
0x74: {  	v14 =	vmul.f32 $1.131370830e+01, v14;
	v11 =	vmul.f32 $1.131370830e+01, v11;
	v17 =	vld [tilespmem:s30+$0x0]  }
0x75: {  	v15 =	vmul.f32 $1.131370830e+01, v19;
	v19 =	vld [tilespmem:s30+$0x40];
	v9 =	vbroadcast v9, $0x0;
	s0 =	spop (v2sf)  }
0x76: {  	v8 =	vmul.f32 $1.131370830e+01, v8;
	v16 =	vmul.f32 $1.131370830e+01, v20;
	v20 =	vld [tilespmem:s30+$0x50];
	s0 =	ssub.f32 $1.000000000e+00, s0  }
0x77: {  	v21 =	vld [tilespmem:s30+$0x60];
	v22 =	vmul.f32 v9, v1;
	v23 =	vmul.f32 v9, v6  }
0x78: {  	v24 =	vld [tilespmem:s30+$0x10];
	v25 =	vmul.f32 v9, v4;
	v12 =	vmul.f32 s0, v12  }
0x79: {  	v26 =	vld [tilespmem:s30+$0x20];
	v27 =	vmul.f32 v9, v5;
	v17 =	vmul.f32 s0, v17  }
0x7a: {  	v28 =	vld [tilespmem:s30+$0x30];
	v29 =	vmul.f32 v9, v7;
	v19 =	vmul.f32 s0, v19;
	v8 =	vadd.f32 v12, v8  }
0x7b: {  	v12 =	vmul.f32 v9, v0;
	v15 =	vadd.f32 v17, v15;
	v17 =	vmul.f32 s0, v20  }
0x7c: {  	v20 =	vmul.f32 s0, v21;
	v13 =	vadd.f32 v19, v13;
	v8 =	vadd.f32 v8, v29  }
0x7d: {  	v19 =	vmul.f32 s0, v24;
	v12 =	vadd.f32 v15, v12;
	v10 =	vadd.f32 v17, v10  }
0x7e: {  	v11 =	vadd.f32 v20, v11;
	v15 =	vmul.f32 s0, v26;
	v13 =	vadd.f32 v13, v25;
	[tilespmem:s30+$0xD070] =	vst v8  }
0x7f: {  	v8 =	vmul.f32 s0, v28;
	[tilespmem:s30+$0xD000] =	vst v12;
	v12 =	vadd.f32 v19, v14;
	v10 =	vadd.f32 v10, v27  }
0x80: {  	v14 =	vmul.f32 v9, v2;
	v15 =	vadd.f32 v15, v18;
	[tilespmem:s30+$0xD040] =	vst v13;
	v11 =	vadd.f32 v11, v23  }
0x81: {  	v9 =	vmul.f32 v9, v3;
	v8 =	vadd.f32 v8, v16;
	v12 =	vadd.f32 v12, v22;
	[tilespmem:s30+$0xD050] =	vst v10  }
0x82: {  	v10 =	vadd.f32 v15, v14;
	[tilespmem:s30+$0xD060] =	vst v11  }
0x83: {  	p1 =	seq.s32 s25, $0x15;
	s31 =	smul.u32 $0x680, s29;
	v8 =	vadd.f32 v8, v9;
	[tilespmem:s30+$0xD010] =	vst v12  }
0x84: {  	s1 =	sadd.s32 @!p1 $0x2, s29;
	[tilespmem:s30+$0xD020] =	vst v10  }
0x85: {  	s14 =	smul.u32 @!p1 $0x680, s1;
	s0 =	sadd.s32 s7, s31;
	[tilespmem:s30+$0xD030] =	vst v8  }
0x86: {  	[hbm4b:s0+s2] =	stream.linear.scatter [tilespmem:s19], [sflag:$0x3], $0x3200, $0x38;
	[tilespmem:$0x13900] =	vst v63  }
0x87: {  	s28 =	simm.s32 @!p1 $0x6800;
	s0 =	sadd.s32 @!p1 s3, s14;
	s14 =	simm.s32 @!p1 $0x0  }
0x88: {  	[tilespmem:s28], [sflag:$0x1] =	stream.linear.gather @!p1 [hbm4b:s0+s14], $0x3200, $0x38;
	[tilespmem:$0x13900] =	vst v63  }
0x89: {  	s0 =	sshll.u32 @!p1 s1, $0x4  }
0x8a: {  	s0 =	sand.u32 @!p1 $0xFFFFFE0, s0  }
0x8b: {  	s1 =	simm.s32 @!p1 $0x13800;
	s0 =	sadd.s32 @!p1 s4, s0  }
0x8c: {  	[tilespmem:s1], [sflag:$0x1] =	stream.linear.gather @!p1 [hbm4b:s0+s14], $0x80, $0x38;
	[tilespmem:$0x13900] =	vst v63  }
0x8d: {  	_ =	swait.ge [sflag:s20], $0x3200  }
0x8e: {  	[sflag:s20] =	ssyncset.done $0x0  }
0x8f: {  	[sflag:s20] =	ssyncadd.s32 $0xFFFFCE00  }
0x90: {  	_ =	swait.ge [sflag:s20], $0x80  }
0x91: {  	[sflag:s20] =	ssyncset.done $0x0  }
0x92: {  	s0 =	simm.s32 @!p0 $0x4;
	[sflag:s20] =	ssyncadd.s32 $0xFFFFFF80  }
0x93: {  	_ =	swait.ge @!p0 [sflag:s0], $0x3200  }
0x94: {  	[sflag:s0] =	ssyncset.done @!p0 $0x0  }
0x95: {  	s1 =	simm.s32 $0x13880;
	[sflag:s0] =	ssyncadd.s32 @!p0 $0xFFFFCE00  }
0x96: {  	v8 =	vld [tilespmem:s1+$0x0];
	_ =	sdelay $0x4  }
0x97: {  	s28 =	simm.s32 $0x0;
	(v2sf) =	vpush v8, $0x0  }
0x98: {  	v10 =	vld [tilespmem:s28+$0x9C70]  }
0x99: {  	v9 =	vld [tilespmem:s28+$0x9C20]  }
0x9a: {  	v12 =	vld [tilespmem:s28+$0x9C50]  }
0x9b: {  	v13 =	vld [tilespmem:s28+$0x9C40]  }
0x9c: {  	v14 =	vld [tilespmem:s28+$0x9C10]  }
0x9d: {  	v15 =	vld [tilespmem:s28+$0x9C00]  }
0x9e: {  	v16 =	vld [tilespmem:s28+$0x9C30]  }
0x9f: {  	v11 =	vld [tilespmem:s28+$0x9C60]  }
0xa0: {  	v18 =	vld [tilespmem:s28+$0x3230];
	v9 =	vmul.f32 $1.131370830e+01, v9  }
0xa1: {  	v22 =	vld [tilespmem:s28+$0x3250];
	v20 =	vmul.f32 $1.131370830e+01, v12;
	v21 =	vbroadcast v8, $0x0  }
0xa2: {  	v24 =	vld [tilespmem:s28+$0x3260];
	v13 =	vmul.f32 $1.131370830e+01, v13;
	v23 =	vmul.f32 $1.131370830e+01, v15  }
0xa3: {  	v26 =	vld [tilespmem:s28+$0x3270];
	v25 =	vmul.f32 $1.131370830e+01, v16;
	v27 =	vmul.f32 $1.131370830e+01, v14  }
0xa4: {  	v14 =	vld [tilespmem:s28+$0x3240];
	v60 =	vmul.f32 $1.131370830e+01, v11;
	v10 =	vmul.f32 $1.131370830e+01, v10  }
0xa5: {  	v61 =	vld [tilespmem:s28+$0x3200];
	v12 =	vmul.f32 v21, v2;
	v15 =	vmul.f32 v21, v3  }
0xa6: {  	v30 =	vld [tilespmem:s28+$0x3210];
	v16 =	vmul.f32 v21, v1;
	v17 =	vmul.f32 v21, v6;
	s14 =	spop (v2sf)  }
0xa7: {  	s29 =	simm.s32 $0x80;
	v19 =	vld [tilespmem:s28+$0x3220];
	v31 =	vmul.f32 v21, v4;
	v32 =	vmul.f32 v21, v5;
	s0 =	ssub.f32 $1.000000000e+00, s14  }
0xa8: {  	v35 =	vld [tilespmem:s29+$0x9C20];
	v33 =	vmul.f32 v21, v0;
	v34 =	vmul.f32 v21, v7  }
0xa9: {  	v36 =	vld [tilespmem:s29+$0x9C40];
	v14 =	vmul.f32 s0, v14;
	v21 =	vmul.f32 s0, v26  }
0xaa: {  	v8 =	vld [tilespmem:s29+$0x9C70];
	v29 =	vmul.f32 s0, v61;
	v24 =	vmul.f32 s0, v24  }
0xab: {  	v26 =	vld [tilespmem:s29+$0x9C50];
	v30 =	vmul.f32 s0, v30;
	v62 =	vmul.f32 s0, v22;
	v10 =	vadd.f32 v21, v10  }
0xac: {  	v11 =	vld [tilespmem:s29+$0x9C60];
	v22 =	vmul.f32 s0, v19;
	v13 =	vadd.f32 v14, v13;
	v23 =	vadd.f32 v29, v23  }
0xad: {  	v19 =	vld [tilespmem:s29+$0x9C00];
	v21 =	vadd.f32 v24, v60;
	v24 =	vmul.f32 s0, v18;
	v63 =	vadd.f32 v10, v34  }
0xae: {  	s31 =	sadd.s32 s26, s5;
	v14 =	vld [tilespmem:s29+$0x9C10];
	v18 =	vmul.f32 $1.131370830e+01, v35;
	v29 =	vadd.f32 v62, v20;
	v33 =	vadd.f32 v23, v33  }
0xaf: {  	s26 =	sadd.s32 $0x1, s31;
	v20 =	vld [tilespmem:s29+$0x9C30];
	v23 =	vadd.f32 v24, v25;
	v24 =	vadd.f32 v13, v31;
	v13 =	vmul.f32 $1.131370830e+01, v36;
	[tilespmem:s28+$0x10470] =	vst v63  }
0xb0: {  	s30 =	simm.s32 $0x13881;
	s1 =	simm.s32 $0x13881;
	s0 =	simm.s32 $0x400;
	v25 =	vadd.f32 v29, v32;
	v10 =	vmul.f32 $1.131370830e+01, v26;
	v26 =	vadd.f32 v30, v27;
	[tilespmem:s28+$0x10400] =	vst v33  }
.LBB2_5:
0xb1: {  	p0 =	sne.s32 s0, $0xC600  }
0xb2: {  	s1 =	sadd.s32 $0x1, s1;
	v22 =	vadd.f32 v22, v9;
	[tilespmem:s28+$0x10440] =	vst v24;
	v17 =	vadd.f32 v21, v17;
	v9 =	vmov v18;
	s14 =	smov.u32 s0;
	s0 =	sadd.s32 $0x200, s0  }
0xb3: {  	v15 =	vadd.f32 v23, v15;
	v16 =	vadd.f32 v26, v16;
	[tilespmem:s28+$0x10450] =	vst v25  }
0xb4: {  	v18 =	vmul.f32 $1.131370830e+01, v19;
	v12 =	vadd.f32 v22, v12;
	[tilespmem:s28+$0x10460] =	vst v17  }
0xb5: {  	v23 =	vmul.f32 $1.131370830e+01, v20;
	[tilespmem:s28+$0x10410] =	vst v16  }
0xb6: {  	[tilespmem:s28+$0x10420] =	vst v12  }
0xb7: {  	[tilespmem:s28+$0x10430] =	vst v15;
	s28 =	smov.u32 s29  }
0xb8: {  	v12 =	vld [tilespmem:s30+$0x0];
	s30 =	smov.u32 s1;
	_ =	sdelay $0x4  }
0xb9: {  	v19 =	vbroadcast v12, $0x0;
	(v2sf) =	vpush v12, $0x0;
	_ =	sdelay $0x1  }
0xba: {  	v12 =	vmul.f32 v19, v2;
	_ =	sdelay $0x4  }
0xbb: {  	v20 =	vld [tilespmem:s28+$0x3230]  }
0xbc: {  	v22 =	vld [tilespmem:s28+$0x3220]  }
0xbd: {  	v21 =	vld [tilespmem:s28+$0x3250]  }
0xbe: {  	v24 =	vld [tilespmem:s28+$0x3210]  }
0xbf: {  	v25 =	vld [tilespmem:s28+$0x3260]  }
0xc0: {  	v26 =	vld [tilespmem:s28+$0x3270]  }
0xc1: {  	v27 =	vmul.f32 $1.131370830e+01, v14;
	v28 =	vmul.f32 $1.131370830e+01, v11;
	v14 =	vld [tilespmem:s28+$0x3240]  }
0xc2: {  	v30 =	vmul.f32 $1.131370830e+01, v8;
	s29 =	sshra.s32 s14, $0x2;
	v15 =	vmul.f32 v19, v3;
	v29 =	vld [tilespmem:s28+$0x3200]  }
0xc3: {  	v16 =	vmul.f32 v19, v1;
	v17 =	vmul.f32 v19, v6;
	v8 =	vld [tilespmem:s29+$0x9C70];
	s14 =	spop (v2sf)  }
0xc4: {  	v31 =	vmul.f32 v19, v4;
	v32 =	vmul.f32 v19, v5;
	v11 =	vld [tilespmem:s29+$0x9C60];
	s14 =	ssub.f32 $1.000000000e+00, s14  }
0xc5: {  	v34 =	vmul.f32 v19, v0;
	v19 =	vmul.f32 v19, v7;
	v33 =	vld [tilespmem:s29+$0x9C20]  }
0xc6: {  	v35 =	vld [tilespmem:s29+$0x9C50];
	v36 =	vmul.f32 s14, v14;
	v26 =	vmul.f32 s14, v26  }
0xc7: {  	v25 =	vmul.f32 s14, v25;
	v37 =	vld [tilespmem:s29+$0x9C40];
	v29 =	vmul.f32 s14, v29  }
0xc8: {  	v38 =	vmul.f32 s14, v24;
	v14 =	vld [tilespmem:s29+$0x9C10];
	v13 =	vadd.f32 v36, v13;
	v24 =	vadd.f32 v26, v30  }
.Ltmp3:
0xc9: {  	v26 =	vadd.f32 v29, v18;
	v29 =	vmul.f32 s14, v21;
	v21 =	vadd.f32 v25, v28;
	(pc) =	sbr.rel @p0 .LBB2_5-.Ltmp3, $4  }
0xca: {  	v22 =	vmul.f32 s14, v22;
	v25 =	vmul.f32 s14, v20;
	v28 =	vadd.f32 v24, v19  }
0xcb: {  	v18 =	vmul.f32 $1.131370830e+01, v33;
	v19 =	vld [tilespmem:s29+$0x9C00];
	v26 =	vadd.f32 v26, v34;
	v29 =	vadd.f32 v29, v10  }
0xcc: {  	v24 =	vadd.f32 v13, v31;
	v10 =	vmul.f32 $1.131370830e+01, v35;
	v23 =	vadd.f32 v25, v23;
	v20 =	vld [tilespmem:s29+$0x9C30];
	[tilespmem:s28+$0x10470] =	vst v28  }
0xcd: {  	v13 =	vmul.f32 $1.131370830e+01, v37;
	[tilespmem:s28+$0x10400] =	vst v26;
	v26 =	vadd.f32 v38, v27;
	v25 =	vadd.f32 v29, v32  }
0xce: {  	[tilespmem:s28+$0x10440] =	vst v24;
	v17 =	vadd.f32 v21, v17  }
0xcf: {  	v9 =	vadd.f32 v22, v9;
	v46 =	vadd.f32 v23, v15;
	[tilespmem:s28+$0x10450] =	vst v25  }
0xd0: {  	v16 =	vadd.f32 v26, v16;
	[tilespmem:s28+$0x10460] =	vst v17  }
0xd1: {  	v9 =	vadd.f32 v9, v12;
	[tilespmem:s28+$0x10430] =	vst v46  }
0xd2: {  	[tilespmem:s28+$0x10410] =	vst v16  }
0xd3: {  	[tilespmem:s28+$0x10420] =	vst v9  }
0xd4: {  	v9 =	vld [tilespmem:s30+$0x0];
	_ =	sdelay $0x4  }
0xd5: {  	(v2sf) =	vpush v9, $0x0;
	_ =	sdelay $0xc  }
0xd6: {  	v12 =	vld [tilespmem:s29+$0x3270]  }
0xd7: {  	v14 =	vmul.f32 $1.131370830e+01, v14;
	v11 =	vmul.f32 $1.131370830e+01, v11;
	v17 =	vld [tilespmem:s29+$0x3200]  }
0xd8: {  	v8 =	vmul.f32 $1.131370830e+01, v8;
	v49 =	vld [tilespmem:s29+$0x3240];
	v9 =	vbroadcast v9, $0x0;
	s0 =	spop (v2sf)  }
0xd9: {  	v47 =	vmul.f32 $1.131370830e+01, v19;
	v48 =	vmul.f32 $1.131370830e+01, v20;
	v50 =	vld [tilespmem:s29+$0x3250];
	s0 =	ssub.f32 $1.000000000e+00, s0  }
0xda: {  	v51 =	vld [tilespmem:s29+$0x3260];
	v52 =	vmul.f32 v9, v1;
	v53 =	vmul.f32 v9, v6  }
0xdb: {  	v24 =	vld [tilespmem:s29+$0x3210];
	v54 =	vmul.f32 v9, v4;
	v12 =	vmul.f32 s0, v12  }
0xdc: {  	v55 =	vld [tilespmem:s29+$0x3220];
	v27 =	vmul.f32 v9, v5;
	v17 =	vmul.f32 s0, v17  }
0xdd: {  	v28 =	vld [tilespmem:s29+$0x3230];
	v29 =	vmul.f32 v9, v7;
	v19 =	vmul.f32 s0, v49;
	v8 =	vadd.f32 v12, v8  }
0xde: {  	v56 =	vmul.f32 v9, v0;
	v57 =	vmul.f32 s0, v50;
	v15 =	vadd.f32 v17, v47  }
0xdf: {  	v58 =	vmul.f32 s0, v51;
	v13 =	vadd.f32 v19, v13;
	v8 =	vadd.f32 v8, v29  }
0xe0: {  	v59 =	vmul.f32 s0, v24;
	v10 =	vadd.f32 v57, v10;
	v12 =	vadd.f32 v15, v56  }
0xe1: {  	v60 =	vmul.f32 s0, v55;
	v11 =	vadd.f32 v58, v11;
	v13 =	vadd.f32 v13, v54;
	[tilespmem:s29+$0x10470] =	vst v8  }
0xe2: {  	v61 =	vadd.f32 v59, v14;
	v10 =	vadd.f32 v10, v27;
	v8 =	vmul.f32 s0, v28;
	[tilespmem:s29+$0x10400] =	vst v12  }
0xe3: {  	v62 =	vmul.f32 v9, v2;
	v15 =	vadd.f32 v60, v18;
	v11 =	vadd.f32 v11, v53;
	[tilespmem:s29+$0x10440] =	vst v13  }
0xe4: {  	v9 =	vmul.f32 v9, v3;
	v12 =	vadd.f32 v61, v52;
	[tilespmem:s29+$0x10450] =	vst v10;
	v8 =	vadd.f32 v8, v48  }
.Ltmp4:
0xe5: {  	v63 =	vadd.f32 v15, v62;
	[tilespmem:s29+$0x10460] =	vst v11;
	(pc) =	sbr.rel @p1 .LBB2_8-.Ltmp4, $4  }
0xe6: {  	s31 =	smul.u32 $0x680, s26;
	[tilespmem:s29+$0x10410] =	vst v12;
	v8 =	vadd.f32 v8, v9  }
0xe7: {  	[tilespmem:s29+$0x10420] =	vst v63  }
0xe8: {  	s0 =	sadd.s32 s7, s31;
	[tilespmem:s29+$0x10430] =	vst v8  }
0xe9: {  	[hbm4b:s0+s2] =	stream.linear.scatter [tilespmem:s21], [sflag:$0x4], $0x3200, $0x38;
	[tilespmem:$0x13900] =	vst v63  }
0xea: {  	s0 =	sadd.s32 $0x2, s26  }
0xeb: {  	s1 =	smul.u32 $0x680, s0  }
.Ltmp5:
0xec: {  	s0 =	sshll.u32 s0, $0x4;
	(pc) =	sbr.rel .LBB2_2-.Ltmp5, $4  }
0xed: {  	s0 =	sand.u32 $0xFFFFFF0, s0;
	s1 =	sadd.s32 s3, s1  }
0xee: {  	[tilespmem:s16], [sflag:$0x2] =	stream.linear.gather [hbm4b:s1+s2], $0x3200, $0x38;
	[tilespmem:$0x13900] =	vst v63  }
0xef: {  	s25 =	sadd.s32 $0x1, s25;
	s0 =	sadd.s32 s4, s0  }
0xf0: {  	[tilespmem:s17], [sflag:$0x2] =	stream.linear.gather [hbm4b:s0+s2], $0x80, $0x38;
	[tilespmem:$0x13900] =	vst v63  }
.LBB2_9:
0xf1: {  	_ =	sfence.sel $0x180000  }
0xf2: {  	[bflag:$0x0] =	sbarrier.arrive $0xFFFF  }
0xf3: {  	_ =	strace $0x90000047  }
0xf4: {  	s0 =	stileid.u32;
	[bflag:$0x2] =	sbarrier.arrive $0xFFFF  }
0xf5: {  	p0 =	sne.s32 s0, $0x0;
	s0 =	rddreg [dreg:$0x1]  }
0xf6: {  	s0 =	sadd.s32 @!p0 $0x100000, s0  }
0xf7: {  	[sflag:s0] =	ssyncadd.tile.s32 @!p0 $0x1;
	_ =	shalt  }
.Lfunc_end2:
_tile_overlayer_lowered:
.L_overlay_start_2:
0xf8: {  	(tag) =	ssettag $0x2  }
0xf9: {  	s0 =	rddreg [dreg:$0x0];
	s2 =	stileid.u32  }
0xfa: {  	s1 =	rddreg [dreg:$0x1];
	p0 =	sne.s32 s2, $0x0  }
0xfb: {  	s3 =	rddreg [dreg:$0x2];
	[bflag:$0x3] =	sbarrier.arrive $0xFFFF;
	s2 =	simm.s32 @!p0 $0x1C05  }
0xfc: {  	[timem:s3], [sflag:s2] =	dma.local @!p0 [hbm:s0], s1  }
0xfd: {  	s0 =	simm.s32 @!p0 $0x5  }
0xfe: {  	_ =	swait.ge @!p0 [sflag:s0], s1  }
0xff: {  	s1 =	ssub.s32 @!p0 $0x0, s1;
	[sflag:s0] =	ssyncset.done @!p0 $0x0  }
0x100: {  	[sflag:s0] =	ssyncadd.s32 @!p0 s1  }
0x101: {  	[bflag:$0x3] =	sbarrier.arrive $0xFFFF  }
0x102: {  	_ =	shalt  }

</sc_bundles>
